<compile_context>
chip_gen: v7x
topology: tpu7x:2x2x1
jax: 0.10.2.dev20260603
libtpu: 0.0.44.dev20260713+nightly
codegen_flags: <defaults>
</compile_context>

<pallas_src>
import functools
import jax
import jax.numpy as jnp
from jax import lax
from jax.experimental import pallas as pl
from jax.experimental.pallas import tpu as pltpu
from jax.experimental.pallas import tpu_sc as plsc

B = 2
N = 4096
K = 16
DIN = 32
DOUT = 64
D2 = DOUT // 2
P = B * N
PK = P * K
EPS = 1e-6

TR = 256
TP = 256
NW = 32
CHUNK = PK // NW

f32 = jnp.float32



def _knn_body(c2_ref, ct_ref, idx_ref, dist_ref):
    g = pl.program_id(0)
    b = g // (N // TR)
    ct = ct_ref[0]
    sq_c = jnp.sum(ct * ct, axis=0, keepdims=True)
    r = c2_ref[...]
    sq_r = jnp.sum(r * r, axis=1, keepdims=True)
    gmat = jnp.dot(r, ct, preferred_element_type=f32)
    d = sq_r + sq_c - 2.0 * gmat
    col = lax.broadcasted_iota(jnp.int32, (TR, N), 1)
    kcol = lax.broadcasted_iota(jnp.int32, (TR, K), 1)
    packed = (lax.bitcast_convert_type(d, jnp.int32) & ~jnp.int32(0xFFF)) | col
    idx_acc = jnp.zeros((TR, K), jnp.int32)
    dist_acc = jnp.zeros((TR, K), f32)
    for k in range(K):
        m = jnp.min(packed, axis=1, keepdims=True)
        dv = lax.bitcast_convert_type(m & ~jnp.int32(0xFFF), f32)
        idx_acc = jnp.where(kcol == k, (m & jnp.int32(0xFFF)) + b * N, idx_acc)
        dist_acc = jnp.where(kcol == k, jnp.maximum(dv, 0.0), dist_acc)
        if k < K - 1:
            packed = jnp.where(packed == m, jnp.int32(0x7FFFFFFF), packed)
    idx_ref[...] = idx_acc
    dist_ref[...] = dist_acc


def _knn(c2, ct):
    return pl.pallas_call(
        _knn_body,
        grid=(P // TR,),
        in_specs=[
            pl.BlockSpec((TR, 3), lambda g: (g, 0)),
            pl.BlockSpec((1, 3, N), lambda g: (g // (N // TR), 0, 0)),
        ],
        out_specs=[
            pl.BlockSpec((TR, K), lambda g: (g, 0)),
            pl.BlockSpec((TR, K), lambda g: (g, 0)),
        ],
        out_shape=[
            jax.ShapeDtypeStruct((P, K), jnp.int32),
            jax.ShapeDtypeStruct((P, K), f32),
        ],
    )(c2, ct)



SUB = 512


def _gather_body(tab_hbm, gidx_hbm, out_hbm, idx_v, rows_v, sem):
    wid = lax.axis_index("s") * 2 + lax.axis_index("c")
    base = wid * CHUNK
    pltpu.sync_copy(gidx_hbm.at[pl.ds(base, CHUNK)], idx_v)

    @pl.loop(0, CHUNK // SUB)
    def _(s):
        off = s * SUB
        pltpu.async_copy(tab_hbm.at[idx_v.at[pl.ds(off, SUB)]],
                         rows_v, sem).wait()
        pltpu.sync_copy(rows_v, out_hbm.at[pl.ds(base + off, SUB)])


def _gather_rows(tab, gidx):
    run = functools.partial(
        pl.kernel,
        out_type=jax.ShapeDtypeStruct((PK, 128), f32),
        mesh=plsc.VectorSubcoreMesh(core_axis_name="c", subcore_axis_name="s"),
        scratch_types=[
            pltpu.VMEM((CHUNK,), jnp.int32),
            pltpu.VMEM((SUB, 128), f32),
            pltpu.SemaphoreType.DMA,
        ],
    )(_gather_body)
    return run(tab, gidx)



def _fpath_body(f_ref, wm1_ref, bm1_ref, wsc_ref, bsc_ref,
                x1_ref, ysc_ref, ssc_ref, acc_ref):
    g = pl.program_id(0)
    fv = f_ref[...]
    x1 = jnp.dot(fv, wm1_ref[...], preferred_element_type=f32) + bm1_ref[...]
    x1_ref[...] = jnp.where(x1 >= 0, x1, 0.2 * x1)
    ysc = jnp.dot(fv, wsc_ref[...], preferred_element_type=f32) + bsc_ref[...]
    ysc_ref[...] = ysc

    @pl.when(g == 0)
    def _():
        acc_ref[...] = jnp.zeros_like(acc_ref)

    s = jnp.sum(ysc, axis=0, keepdims=True)
    ss = jnp.sum(ysc * ysc, axis=0, keepdims=True)
    acc_ref[...] += jnp.concatenate([s, ss], axis=0)

    @pl.when(g == pl.num_programs(0) - 1)
    def _():
        ssc_ref[...] = acc_ref[...]


def _fpath(fmat, wm1t, bm1, wsct, bsc):
    return pl.pallas_call(
        _fpath_body,
        grid=(P // TP,),
        in_specs=[
            pl.BlockSpec((TP, DIN), lambda g: (g, 0)),
            pl.BlockSpec((DIN, DIN), lambda g: (0, 0)),
            pl.BlockSpec((1, DIN), lambda g: (0, 0)),
            pl.BlockSpec((DIN, 2 * DOUT), lambda g: (0, 0)),
            pl.BlockSpec((1, 2 * DOUT), lambda g: (0, 0)),
        ],
        out_specs=[
            pl.BlockSpec((TP, DIN), lambda g: (g, 0)),
            pl.BlockSpec((TP, 2 * DOUT), lambda g: (g, 0)),
            pl.BlockSpec((2, 2 * DOUT), lambda g: (0, 0)),
        ],
        out_shape=[
            jax.ShapeDtypeStruct((P, DIN), f32),
            jax.ShapeDtypeStruct((P, 2 * DOUT), f32),
            jax.ShapeDtypeStruct((2, 2 * DOUT), f32),
        ],
        scratch_shapes=[pltpu.VMEM((2, 2 * DOUT), f32)],
    )(fmat, wm1t, bm1, wsct, bsc)



def _y_terms(c, nbr16, dist, wxt, wnt, wd, bv):
    cw = jnp.dot(c, wxt, preferred_element_type=f32)
    nb = nbr16[:, 0:3]
    nw_ = jnp.dot(nb, wnt, preferred_element_type=f32)
    y = (cw[:, None, :] + nw_.reshape(TP, K, D2)
         + dist[:, :, None] * wd.reshape(1, 1, D2) + bv.reshape(1, 1, D2))
    return y



def _encstats_body(c_ref, nbr_ref, dist_ref,
                   wxt1_ref, wnt1_ref, wd1_ref, b1_ref,
                   wxt2_ref, wnt2_ref, wd2_ref, b2_ref,
                   s1_ref, s2_ref, acc1_ref, acc2_ref):
    g = pl.program_id(0)
    c = c_ref[...]
    nbr16 = nbr_ref[...]
    dist = dist_ref[...]

    @pl.when(g == 0)
    def _():
        acc1_ref[...] = jnp.zeros_like(acc1_ref)
        acc2_ref[...] = jnp.zeros_like(acc2_ref)

    for (wxt, wnt, wd, bv, acc) in (
            (wxt1_ref, wnt1_ref, wd1_ref, b1_ref, acc1_ref),
            (wxt2_ref, wnt2_ref, wd2_ref, b2_ref, acc2_ref)):
        y = _y_terms(c, nbr16, dist, wxt[...], wnt[...], wd[...], bv[...])
        yf = y.reshape(TP * K, D2)
        s = jnp.sum(yf, axis=0, keepdims=True)
        ss = jnp.sum(yf * yf, axis=0, keepdims=True)
        acc[...] += jnp.concatenate([s, ss], axis=0)

    @pl.when(g == pl.num_programs(0) - 1)
    def _():
        s1_ref[...] = acc1_ref[...]
        s2_ref[...] = acc2_ref[...]


def _encstats(c2, nbr, dist, wxt1, wnt1, wd1, b1, wxt2, wnt2, wd2, b2):
    wspec = [
        pl.BlockSpec((3, D2), lambda g: (0, 0)),
        pl.BlockSpec((3, D2), lambda g: (0, 0)),
        pl.BlockSpec((1, D2), lambda g: (0, 0)),
        pl.BlockSpec((1, D2), lambda g: (0, 0)),
    ]
    return pl.pallas_call(
        _encstats_body,
        grid=(P // TP,),
        in_specs=[
            pl.BlockSpec((TP, 3), lambda g: (g, 0)),
            pl.BlockSpec((TP * K, 128), lambda g: (g, 0)),
            pl.BlockSpec((TP, K), lambda g: (g, 0)),
        ] + wspec + wspec,
        out_specs=[
            pl.BlockSpec((2, D2), lambda g: (0, 0)),
            pl.BlockSpec((2, D2), lambda g: (0, 0)),
        ],
        out_shape=[
            jax.ShapeDtypeStruct((2, D2), f32),
            jax.ShapeDtypeStruct((2, D2), f32),
        ],
        scratch_shapes=[pltpu.VMEM((2, D2), f32), pltpu.VMEM((2, D2), f32)],
    )(c2, nbr, dist, wxt1, wnt1, wd1, b1, wxt2, wnt2, wd2, b2)


def _bn_coeffs(stats, gv, bev, cnt):
    m = stats[0:1, :] / cnt
    v = stats[1:2, :] / cnt - m * m
    scale = gv / jnp.sqrt(v + EPS)
    shift = bev - m * scale
    return scale, shift


def _attpool(xb, wst, K_, TP_, C):
    s = jnp.dot(xb.reshape(TP_ * K_, C), wst,
                preferred_element_type=f32).reshape(TP_, K_, C)
    mx = jnp.max(s, axis=1, keepdims=True)
    e = jnp.exp(s - mx)
    rden = 1.0 / jnp.sum(e, axis=1, keepdims=True)
    return jnp.sum((e * rden) * xb, axis=1)



def _stage1_body(c_ref, nbr_ref, dist_ref, x1_ref, st1_ref,
                 wxt_ref, wnt_ref, wd_ref, b_ref, g1_ref, be1_ref,
                 wst_ref, wpt_ref, bp_ref,
                 z1_ref, sz_ref, acc_ref):
    g = pl.program_id(0)
    scale, shift = _bn_coeffs(st1_ref[...], g1_ref[...], be1_ref[...],
                              float(PK))
    y = _y_terms(c_ref[...], nbr_ref[...], dist_ref[...],
                 wxt_ref[...], wnt_ref[...], wd_ref[...], b_ref[...])
    enc = y * scale.reshape(1, 1, D2) + shift.reshape(1, 1, D2)
    enc = jnp.maximum(enc, 0.0)
    x1b = jnp.broadcast_to(x1_ref[...][:, None, :], (TP, K, D2))
    xb = jnp.concatenate([enc, x1b], axis=2)
    pooled = _attpool(xb, wst_ref[...], K, TP, DOUT)
    z = jnp.dot(pooled, wpt_ref[...], preferred_element_type=f32) + bp_ref[...]
    z1_ref[...] = z

    @pl.when(g == 0)
    def _():
        acc_ref[...] = jnp.zeros_like(acc_ref)

    s = jnp.sum(z, axis=0, keepdims=True)
    ss = jnp.sum(z * z, axis=0, keepdims=True)
    acc_ref[...] += jnp.concatenate([s, ss], axis=0)

    @pl.when(g == pl.num_programs(0) - 1)
    def _():
        sz_ref[...] = acc_ref[...]


def _stage1(c2, nbr, dist, x1, st1, wxt, wnt, wd, bv, g1, be1, wst, wpt, bp):
    return pl.pallas_call(
        _stage1_body,
        grid=(P // TP,),
        in_specs=[
            pl.BlockSpec((TP, 3), lambda g: (g, 0)),
            pl.BlockSpec((TP * K, 128), lambda g: (g, 0)),
            pl.BlockSpec((TP, K), lambda g: (g, 0)),
            pl.BlockSpec((TP, D2), lambda g: (g, 0)),
            pl.BlockSpec((2, D2), lambda g: (0, 0)),
            pl.BlockSpec((3, D2), lambda g: (0, 0)),
            pl.BlockSpec((3, D2), lambda g: (0, 0)),
            pl.BlockSpec((1, D2), lambda g: (0, 0)),
            pl.BlockSpec((1, D2), lambda g: (0, 0)),
            pl.BlockSpec((1, D2), lambda g: (0, 0)),
            pl.BlockSpec((1, D2), lambda g: (0, 0)),
            pl.BlockSpec((DOUT, DOUT), lambda g: (0, 0)),
            pl.BlockSpec((DOUT, D2), lambda g: (0, 0)),
            pl.BlockSpec((1, D2), lambda g: (0, 0)),
        ],
        out_specs=[
            pl.BlockSpec((TP, D2), lambda g: (g, 0)),
            pl.BlockSpec((2, D2), lambda g: (0, 0)),
        ],
        out_shape=[
            jax.ShapeDtypeStruct((P, D2), f32),
            jax.ShapeDtypeStruct((2, D2), f32),
        ],
        scratch_shapes=[pltpu.VMEM((2, D2), f32)],
    )(c2, nbr, dist, x1, st1, wxt, wnt, wd, bv, g1, be1, wst, wpt, bp)



def _stage2_body(c_ref, nbr_ref, dist_ref, z1_ref, sz1_ref, st2_ref,
                 gp1_ref, bep1_ref,
                 wxt_ref, wnt_ref, wd_ref, b_ref, g2_ref, be2_ref,
                 wst_ref, wpt_ref, bp_ref,
                 z2_ref, sz2_ref, acc_ref):
    g = pl.program_id(0)
    zscale, zshift = _bn_coeffs(sz1_ref[...], gp1_ref[...], bep1_ref[...],
                                float(P))
    x2 = jnp.maximum(z1_ref[...] * zscale + zshift, 0.0)
    escale, eshift = _bn_coeffs(st2_ref[...], g2_ref[...], be2_ref[...],
                                float(PK))
    y = _y_terms(c_ref[...], nbr_ref[...], dist_ref[...],
                 wxt_ref[...], wnt_ref[...], wd_ref[...], b_ref[...])
    enc = jnp.maximum(y * escale.reshape(1, 1, D2)
                      + eshift.reshape(1, 1, D2), 0.0)
    x2b = jnp.broadcast_to(x2[:, None, :], (TP, K, D2))
    xb = jnp.concatenate([enc, x2b], axis=2)
    pooled = _attpool(xb, wst_ref[...], K, TP, DOUT)
    z = jnp.dot(pooled, wpt_ref[...], preferred_element_type=f32) + bp_ref[...]
    z2_ref[...] = z

    @pl.when(g == 0)
    def _():
        acc_ref[...] = jnp.zeros_like(acc_ref)

    s = jnp.sum(z, axis=0, keepdims=True)
    ss = jnp.sum(z * z, axis=0, keepdims=True)
    acc_ref[...] += jnp.concatenate([s, ss], axis=0)

    @pl.when(g == pl.num_programs(0) - 1)
    def _():
        sz2_ref[...] = acc_ref[...]


def _stage2(c2, nbr, dist, z1, sz1, st2, gp1, bep1,
            wxt, wnt, wd, bv, g2, be2, wst, wpt, bp):
    return pl.pallas_call(
        _stage2_body,
        grid=(P // TP,),
        in_specs=[
            pl.BlockSpec((TP, 3), lambda g: (g, 0)),
            pl.BlockSpec((TP * K, 128), lambda g: (g, 0)),
            pl.BlockSpec((TP, K), lambda g: (g, 0)),
            pl.BlockSpec((TP, D2), lambda g: (g, 0)),
            pl.BlockSpec((2, D2), lambda g: (0, 0)),
            pl.BlockSpec((2, D2), lambda g: (0, 0)),
            pl.BlockSpec((1, D2), lambda g: (0, 0)),
            pl.BlockSpec((1, D2), lambda g: (0, 0)),
            pl.BlockSpec((3, D2), lambda g: (0, 0)),
            pl.BlockSpec((3, D2), lambda g: (0, 0)),
            pl.BlockSpec((1, D2), lambda g: (0, 0)),
            pl.BlockSpec((1, D2), lambda g: (0, 0)),
            pl.BlockSpec((1, D2), lambda g: (0, 0)),
            pl.BlockSpec((1, D2), lambda g: (0, 0)),
            pl.BlockSpec((DOUT, DOUT), lambda g: (0, 0)),
            pl.BlockSpec((DOUT, DOUT), lambda g: (0, 0)),
            pl.BlockSpec((1, DOUT), lambda g: (0, 0)),
        ],
        out_specs=[
            pl.BlockSpec((TP, DOUT), lambda g: (g, 0)),
            pl.BlockSpec((2, DOUT), lambda g: (0, 0)),
        ],
        out_shape=[
            jax.ShapeDtypeStruct((P, DOUT), f32),
            jax.ShapeDtypeStruct((2, DOUT), f32),
        ],
        scratch_shapes=[pltpu.VMEM((2, DOUT), f32)],
    )(c2, nbr, dist, z1, sz1, st2, gp1, bep1,
      wxt, wnt, wd, bv, g2, be2, wst, wpt, bp)



def _final_body(z2_ref, sz2_ref, gp2_ref, bep2_ref,
                ysc_ref, ssc_ref, gsc_ref, besc_ref,
                wm2_ref, bm2_ref, out_ref):
    zscale, zshift = _bn_coeffs(sz2_ref[...], gp2_ref[...], bep2_ref[...],
                                float(P))
    x3 = jnp.maximum(z2_ref[...] * zscale + zshift, 0.0)
    sscale, sshift = _bn_coeffs(ssc_ref[...], gsc_ref[...], besc_ref[...],
                                float(P))
    sc = ysc_ref[...] * sscale + sshift
    out = jnp.dot(x3, wm2_ref[...], preferred_element_type=f32) \
        + bm2_ref[...] + sc
    out_ref[...] = jnp.where(out >= 0, out, 0.01 * out)


def _final(z2, sz2, gp2, bep2, ysc, ssc, gsc, besc, wm2t, bm2):
    return pl.pallas_call(
        _final_body,
        grid=(P // TP,),
        in_specs=[
            pl.BlockSpec((TP, DOUT), lambda g: (g, 0)),
            pl.BlockSpec((2, DOUT), lambda g: (0, 0)),
            pl.BlockSpec((1, DOUT), lambda g: (0, 0)),
            pl.BlockSpec((1, DOUT), lambda g: (0, 0)),
            pl.BlockSpec((TP, 2 * DOUT), lambda g: (g, 0)),
            pl.BlockSpec((2, 2 * DOUT), lambda g: (0, 0)),
            pl.BlockSpec((1, 2 * DOUT), lambda g: (0, 0)),
            pl.BlockSpec((1, 2 * DOUT), lambda g: (0, 0)),
            pl.BlockSpec((DOUT, 2 * DOUT), lambda g: (0, 0)),
            pl.BlockSpec((1, 2 * DOUT), lambda g: (0, 0)),
        ],
        out_specs=pl.BlockSpec((TP, 2 * DOUT), lambda g: (g, 0)),
        out_shape=jax.ShapeDtypeStruct((P, 2 * DOUT), f32),
    )(z2, sz2, gp2, bep2, ysc, ssc, gsc, besc, wm2t, bm2)



def _split_lse(w):
    wx = (w[:, 0:3] + w[:, 6:9]).T
    wn = (w[:, 3:6] - w[:, 6:9]).T
    wd = w[:, 9].reshape(1, D2)
    return wx, wn, wd


def kernel(coords, features, W_mlp1, b_mlp1, W_lse1, b_lse1, g_lse1, be_lse1,
           W_score1, W_pool1, b_pool1, g_pool1, be_pool1, W_lse2, b_lse2,
           g_lse2, be_lse2, W_score2, W_pool2, b_pool2, g_pool2, be_pool2,
           W_mlp2, b_mlp2, W_sc, b_sc, g_sc, be_sc):
    c2 = coords.reshape(P, 3)
    ct = coords.transpose(0, 2, 1)
    fmat = features.reshape(B, DIN, N).transpose(0, 2, 1).reshape(P, DIN)
    tab = jnp.pad(c2, ((0, 0), (0, 125)))

    idx, dist = _knn(c2, ct)
    nbr = _gather_rows(tab, idx.reshape(PK))

    x1, ysc, ssc = _fpath(fmat, W_mlp1.T, b_mlp1.reshape(1, DIN),
                          W_sc.T, b_sc.reshape(1, 2 * DOUT))

    wx1, wn1, wd1 = _split_lse(W_lse1)
    wx2, wn2, wd2 = _split_lse(W_lse2)
    b1 = b_lse1.reshape(1, D2)
    b2 = b_lse2.reshape(1, D2)

    st1, st2 = _encstats(c2, nbr, dist, wx1, wn1, wd1, b1, wx2, wn2, wd2, b2)

    z1, sz1 = _stage1(c2, nbr, dist, x1, st1, wx1, wn1, wd1, b1,
                      g_lse1.reshape(1, D2), be_lse1.reshape(1, D2),
                      W_score1.T, W_pool1.T, b_pool1.reshape(1, D2))

    z2, sz2 = _stage2(c2, nbr, dist, z1, sz1, st2,
                      g_pool1.reshape(1, D2), be_pool1.reshape(1, D2),
                      wx2, wn2, wd2, b2,
                      g_lse2.reshape(1, D2), be_lse2.reshape(1, D2),
                      W_score2.T, W_pool2.T, b_pool2.reshape(1, DOUT))

    out = _final(z2, sz2, g_pool2.reshape(1, DOUT), be_pool2.reshape(1, DOUT),
                 ysc, ssc, g_sc.reshape(1, 2 * DOUT),
                 be_sc.reshape(1, 2 * DOUT),
                 W_mlp2.T, b_mlp2.reshape(1, 2 * DOUT))

    return out.reshape(B, N, 2 * DOUT).transpose(0, 2, 1)[:, :, :, None]

# --- scband reference (transcript-rebuilt; emitter-appended) ---
"""Pipeline reference for scband-local-feature-aggregation-12592844112373 (READ-ONLY COPY).

The authoritative reference and input builder live on the scoring server;
editing this copy changes nothing except your own understanding.
"""

import jax, jax.numpy as jnp
import numpy as np

B, N, K = 2, 4096, 16
D_IN, D_OUT = 32, 64


def _w(key, shape, s=0.05):
    return jax.random.normal(key, shape, dtype=jnp.float32) * s


def setup_inputs(seed: int = 0):
    key = jax.random.key(seed)
    ks = jax.random.split(key, 16)
    d2 = D_OUT // 2
    inp = {
        'coords': jax.random.normal(ks[0], (B, N, 3), dtype=jnp.float32),
        'features': jax.random.normal(ks[1], (B, D_IN, N, 1), dtype=jnp.float32),
        'W_mlp1': _w(ks[2], (d2, D_IN)), 'b_mlp1': jnp.zeros((d2,), jnp.float32),
        'W_lse1': _w(ks[3], (d2, 10)), 'b_lse1': jnp.zeros((d2,), jnp.float32),
        'g_lse1': jnp.ones((d2,), jnp.float32), 'be_lse1': jnp.zeros((d2,), jnp.float32),
        'W_score1': _w(ks[4], (D_OUT, D_OUT)),
        'W_pool1': _w(ks[5], (d2, D_OUT)), 'b_pool1': jnp.zeros((d2,), jnp.float32),
        'g_pool1': jnp.ones((d2,), jnp.float32), 'be_pool1': jnp.zeros((d2,), jnp.float32),
        'W_lse2': _w(ks[6], (d2, 10)), 'b_lse2': jnp.zeros((d2,), jnp.float32),
        'g_lse2': jnp.ones((d2,), jnp.float32), 'be_lse2': jnp.zeros((d2,), jnp.float32),
        'W_score2': _w(ks[7], (D_OUT, D_OUT)),
        'W_pool2': _w(ks[8], (D_OUT, D_OUT)), 'b_pool2': jnp.zeros((D_OUT,), jnp.float32),
        'g_pool2': jnp.ones((D_OUT,), jnp.float32), 'be_pool2': jnp.zeros((D_OUT,), jnp.float32),
        'W_mlp2': _w(ks[9], (2 * D_OUT, D_OUT)), 'b_mlp2': jnp.zeros((2 * D_OUT,), jnp.float32),
        'W_sc': _w(ks[10], (2 * D_OUT, D_IN)), 'b_sc': jnp.zeros((2 * D_OUT,), jnp.float32),
        'g_sc': jnp.ones((2 * D_OUT,), jnp.float32), 'be_sc': jnp.zeros((2 * D_OUT,), jnp.float32),
    }
    return inp


def conv1x1(x, W, b):
    return jnp.einsum('oi,bink->bonk', W, x) + b[None, :, None, None]


def bnorm(x, g, be, eps=1e-6):
    m = jnp.mean(x, axis=(0, 2, 3), keepdims=True)
    v = jnp.mean((x - m) ** 2, axis=(0, 2, 3), keepdims=True)
    return (x - m) / jnp.sqrt(v + eps) * g[None, :, None, None] + be[None, :, None, None]


def leaky(x, s):
    return jnp.where(x >= 0, x, s * x)


def knn(coords):
    sq = jnp.sum(coords ** 2, axis=-1)
    d2 = sq[:, :, None] + sq[:, None, :] - 2.0 * jnp.einsum('bnd,bmd->bnm', coords, coords)
    neg, idx = jax.lax.top_k(-d2, K)
    dist = jnp.maximum(-neg, 0.0)
    return jax.lax.stop_gradient(idx), jax.lax.stop_gradient(dist)


def lse(coords, feats, idx, dist, W, b, g, be):
    nbr = jax.vmap(lambda c, i: c[i])(coords, idx)
    nbrT = nbr.transpose(0, 3, 1, 2)
    ext = jnp.broadcast_to(coords.transpose(0, 2, 1)[:, :, :, None], (B, 3, N, K))
    concat = jnp.concatenate([ext, nbrT, ext - nbrT, dist[:, None, :, :]], axis=1)
    enc = jax.nn.relu(bnorm(conv1x1(concat, W, b), g, be))
    d = feats.shape[1]
    return jnp.concatenate([enc, jnp.broadcast_to(feats, (B, d, N, K))], axis=1)


def att_pool(x, Ws, Wm, bm, g, be):
    xp = x.transpose(0, 2, 3, 1)
    sc = jax.nn.softmax(xp @ Ws.T, axis=-2)
    scores = sc.transpose(0, 3, 1, 2)
    feats = jnp.sum(scores * x, axis=-1, keepdims=True)
    return jax.nn.relu(bnorm(conv1x1(feats, Wm, bm), g, be))


def reference(coords, features, W_mlp1, b_mlp1, W_lse1, b_lse1, g_lse1, be_lse1, W_score1, W_pool1, b_pool1, g_pool1, be_pool1, W_lse2, b_lse2, g_lse2, be_lse2, W_score2, W_pool2, b_pool2, g_pool2, be_pool2, W_mlp2, b_mlp2, W_sc, b_sc, g_sc, be_sc):
    idx, dist = knn(coords)
    x = leaky(conv1x1(features, W_mlp1, b_mlp1), 0.2)
    x = lse(coords, x, idx, dist, W_lse1, b_lse1, g_lse1, be_lse1)
    x = att_pool(x, W_score1, W_pool1, b_pool1, g_pool1, be_pool1)
    x = lse(coords, x, idx, dist, W_lse2, b_lse2, g_lse2, be_lse2)
    x = att_pool(x, W_score2, W_pool2, b_pool2, g_pool2, be_pool2)
    out = conv1x1(x, W_mlp2, b_mlp2) + bnorm(conv1x1(features, W_sc, b_sc), g_sc, be_sc)
    return leaky(out, 0.01)

if __name__ == "__main__":
    import jax
    _d = setup_inputs()
    print(jax.jit(kernel)(*tuple(_d.values())))

</pallas_src>

<mosaic_0001>
#map = affine_map<(d0, d1) -> (0, 0)>
#map1 = affine_map<(d0, d1) -> (0)>
module attributes {stable_mosaic.version = 14 : i64} {
  func.func @_gather_body(%arg0: i32, %arg1: i32, %arg2: memref<8192x128xf32, #tpu.memory_space<hbm>>, %arg3: memref<131072xi32, #tpu.memory_space<hbm>>, %arg4: memref<131072x128xf32, #tpu.memory_space<hbm>>, %arg5: memref<4096xi32, #tpu.memory_space<vmem>>, %arg6: memref<512x128xf32, #tpu.memory_space<vmem>>, %arg7: memref<!tpu.dma_semaphore, #tpu.memory_space<semaphore_mem>>) attributes {dimension_semantics = [#tpu.dimension_semantics<core_parallel>, #tpu.dimension_semantics<subcore_parallel>], iteration_bounds = array<i64: 2, 16>, scalar_prefetch = 0 : i64, scratch_operands = 3 : i64, tpu.core_type = #tpu.core_type<sc_vector_subcore>, window_params = [{transform_indices = #map}, {transform_indices = #map1}, {transform_indices = #map}]} {
    %mul3A = arith.constant 2 : i32
    %mul3A_0 = arith.muli %arg1, %mul3A : i32
    %add3A = arith.addi %mul3A_0, %arg0 : i32
    %mul3A_1 = arith.constant 4096 : i32
    %mul3A_2 = arith.muli %add3A, %mul3A_1 : i32
    "tpu.region"() ({
      %run_scoped3A = tpu.sem_alloc : memref<!tpu.dma_semaphore, #tpu.memory_space<semaphore_mem>>
      %dma_start3A = tpu.memref_slice %arg3[%mul3A_2] : memref<131072xi32, #tpu.memory_space<hbm>> -> memref<4096xi32, #tpu.memory_space<hbm>>
      %dma_start3A_7 = tpu.memref_slice %arg3[%mul3A_2] : memref<131072xi32, #tpu.memory_space<hbm>> -> memref<4096xi32, #tpu.memory_space<hbm>>
      tpu.enqueue_dma source(%dma_start3A_7 : memref<4096xi32, #tpu.memory_space<hbm>>) target(%arg5 : memref<4096xi32, #tpu.memory_space<vmem>>) target_semaphore(%run_scoped3A : memref<!tpu.dma_semaphore, #tpu.memory_space<semaphore_mem>>)
      %dma_wait3A = tpu.memref_slice %arg3[%mul3A_2] : memref<131072xi32, #tpu.memory_space<hbm>> -> memref<4096xi32, #tpu.memory_space<hbm>>
      %dma_wait3A_8 = tpu.memref_slice %arg3[%mul3A_2] : memref<131072xi32, #tpu.memory_space<hbm>> -> memref<4096xi32, #tpu.memory_space<hbm>>
      tpu.wait_dma2 semaphore(%run_scoped3A : memref<!tpu.dma_semaphore, #tpu.memory_space<semaphore_mem>>) src(%dma_wait3A_8 : memref<4096xi32, #tpu.memory_space<hbm>>) dst(%arg5 : memref<4096xi32, #tpu.memory_space<vmem>>)
      tpu.yield
    }) : () -> ()
    %scan3A = arith.constant 0 : i32
    %scan3A_3 = arith.constant 8 : i32
    %scan3A_4 = arith.addi %scan3A, %scan3A_3 : i32
    %scan3A_5 = arith.constant 1 : i32
    scf.for %scan3A_7 = %scan3A to %scan3A_4 step %scan3A_5  : i32 {
      %mul3A_8 = arith.constant 1 : i32
      %mul3A_9 = arith.muli %scan3A_7, %mul3A_8 : i32
      %add3A_10 = arith.constant 0 : i32
      %add3A_11 = arith.addi %add3A_10, %mul3A_9 : i32
      %mul3A_12 = arith.constant 512 : i32
      %mul3A_13 = arith.muli %add3A_11, %mul3A_12 : i32
      %dma_start3A = tpu.memref_slice %arg5[%mul3A_13] : memref<4096xi32, #tpu.memory_space<vmem>> -> memref<512xi32, #tpu.memory_space<vmem>>
      %dma_start3A_14 = arith.constant 0 : i32
      %dma_start3A_15 = arith.constant 0 : i32
      %dma_start3A_16 = tpu.memref_slice %arg2[%dma_start3A_14, %dma_start3A_15] : memref<8192x128xf32, #tpu.memory_space<hbm>> -> memref<8192x128xf32, #tpu.memory_space<hbm>>
      tpu.enqueue_indirect_dma source(%dma_start3A_16 : memref<8192x128xf32, #tpu.memory_space<hbm>>) target(%arg6 : memref<512x128xf32, #tpu.memory_space<vmem>>) offsets(%dma_start3A : memref<512xi32, #tpu.memory_space<vmem>>) semaphore(%arg7 : memref<!tpu.dma_semaphore, #tpu.memory_space<semaphore_mem>>)
      %dma_wait3A = tpu.memref_slice %arg5[%mul3A_13] : memref<4096xi32, #tpu.memory_space<vmem>> -> memref<512xi32, #tpu.memory_space<vmem>>
      %dma_wait3A_17 = arith.constant 0 : i32
      %dma_wait3A_18 = arith.constant 0 : i32
      %dma_wait3A_19 = tpu.memref_slice %arg2[%dma_wait3A_17, %dma_wait3A_18] : memref<8192x128xf32, #tpu.memory_space<hbm>> -> memref<8192x128xf32, #tpu.memory_space<hbm>>
      tpu.wait_indirect_dma semaphore(%arg7 : memref<!tpu.dma_semaphore, #tpu.memory_space<semaphore_mem>>) src(%dma_wait3A_19 : memref<8192x128xf32, #tpu.memory_space<hbm>>) dst(%arg6 : memref<512x128xf32, #tpu.memory_space<vmem>>)
      %add3A_20 = arith.addi %mul3A_2, %mul3A_13 : i32
      "tpu.region"() ({
        %run_scoped3A = tpu.sem_alloc : memref<!tpu.dma_semaphore, #tpu.memory_space<semaphore_mem>>
        %dma_start3A_21 = arith.constant 0 : i32
        %dma_start3A_22 = tpu.memref_slice %arg4[%add3A_20, %dma_start3A_21] : memref<131072x128xf32, #tpu.memory_space<hbm>> -> memref<512x128xf32, #tpu.memory_space<hbm>>
        %dma_start3A_23 = arith.constant 0 : i32
        %dma_start3A_24 = tpu.memref_slice %arg4[%add3A_20, %dma_start3A_23] : memref<131072x128xf32, #tpu.memory_space<hbm>> -> memref<512x128xf32, #tpu.memory_space<hbm>>
        tpu.enqueue_dma source(%arg6 : memref<512x128xf32, #tpu.memory_space<vmem>>) target(%dma_start3A_24 : memref<512x128xf32, #tpu.memory_space<hbm>>) target_semaphore(%run_scoped3A : memref<!tpu.dma_semaphore, #tpu.memory_space<semaphore_mem>>)
        %dma_wait3A_25 = arith.constant 0 : i32
        %dma_wait3A_26 = tpu.memref_slice %arg4[%add3A_20, %dma_wait3A_25] : memref<131072x128xf32, #tpu.memory_space<hbm>> -> memref<512x128xf32, #tpu.memory_space<hbm>>
        %dma_wait3A_27 = arith.constant 0 : i32
        %dma_wait3A_28 = tpu.memref_slice %arg4[%add3A_20, %dma_wait3A_27] : memref<131072x128xf32, #tpu.memory_space<hbm>> -> memref<512x128xf32, #tpu.memory_space<hbm>>
        tpu.wait_dma2 semaphore(%run_scoped3A : memref<!tpu.dma_semaphore, #tpu.memory_space<semaphore_mem>>) src(%arg6 : memref<512x128xf32, #tpu.memory_space<vmem>>) dst(%dma_wait3A_28 : memref<512x128xf32, #tpu.memory_space<hbm>>)
        tpu.yield
      }) : () -> ()
    }
    %scan3A_6 = arith.constant 8 : i32
    return
  }
}

module attributes {stable_mosaic.version = 14 : i64} {
  func.func @_knn_body(%arg0: i32, %arg1: memref<256x3xf32, #tpu.memory_space<vmem>>, %arg2: memref<1x3x4096xf32, #tpu.memory_space<vmem>>, %arg3: memref<256x16xi32, #tpu.memory_space<vmem>>, %arg4: memref<256x16xf32, #tpu.memory_space<vmem>>) attributes {dimension_semantics = [#tpu.dimension_semantics<arbitrary>], iteration_bounds = array<i64: 32>, scalar_prefetch = 0 : i64, scratch_operands = 0 : i64, tpu.core_type = #tpu.core_type<tc>, window_params = [{transform_indices = @transform_0, window_bounds = array<i64: 256, 3>}, {transform_indices = @transform_1, window_bounds = array<i64: 1, 3, 4096>}, {transform_indices = @transform_2, window_bounds = array<i64: 256, 16>}, {transform_indices = @transform_3, window_bounds = array<i64: 256, 16>}]} {
    %jit3A = arith.constant 16 : i32
    %div3A = arith.divsi %arg0, %jit3A : i32
    %sign3A = arith.constant 0 : i32
    %sign3A_0 = arith.cmpi sgt, %arg0, %sign3A : i32
    %sign3A_1 = arith.extui %sign3A_0 : i1 to i32
    %sign3A_2 = arith.constant 0 : i32
    %sign3A_3 = arith.cmpi slt, %arg0, %sign3A_2 : i32
    %sign3A_4 = arith.extui %sign3A_3 : i1 to i32
    %sign3A_5 = arith.subi %sign3A_1, %sign3A_4 : i32
    %sign3A_6 = arith.constant 0 : i32
    %sign3A_7 = arith.cmpi sgt, %jit3A, %sign3A_6 : i32
    %sign3A_8 = arith.extui %sign3A_7 : i1 to i32
    %sign3A_9 = arith.constant 0 : i32
    %sign3A_10 = arith.cmpi slt, %jit3A, %sign3A_9 : i32
    %sign3A_11 = arith.extui %sign3A_10 : i1 to i32
    %sign3A_12 = arith.subi %sign3A_8, %sign3A_11 : i32
    %ne3A = arith.cmpi ne, %sign3A_5, %sign3A_12 : i32
    %rem3A = arith.remsi %arg0, %jit3A : i32
    %ne3A_13 = arith.constant 0 : i32
    %ne3A_14 = arith.cmpi ne, %rem3A, %ne3A_13 : i32
    %and3A = arith.andi %ne3A, %ne3A_14 : i1
    %sub3A = arith.constant 1 : i32
    %sub3A_15 = arith.subi %div3A, %sub3A : i32
    %select_n3A = arith.select %and3A, %sub3A_15, %div3A : i32
    %get3A = arith.constant 0 : index
    %get3A_16 = arith.constant 0 : index
    %get3A_17 = arith.constant 0 : index
    %get3A_18 = vector.load %arg2[%get3A, %get3A_16, %get3A_17] : memref<1x3x4096xf32, #tpu.memory_space<vmem>>, vector<1x3x4096xf32>
    %get3A_19 = vector.shape_cast %get3A_18 : vector<1x3x4096xf32> to vector<3x4096xf32>
    %mul3A = arith.mulf %get3A_19, %get3A_19 : vector<3x4096xf32>
    %reduce_sum3A = arith.constant dense<0.000000e+00> : vector<4096xf32>
    %reduce_sum3A_20 = vector.multi_reduction <add>, %mul3A, %reduce_sum3A [0] : vector<3x4096xf32> to vector<4096xf32>
    %broadcast_in_dim3A = vector.shape_cast %reduce_sum3A_20 : vector<4096xf32> to vector<1x4096xf32>
    %get3A_21 = arith.constant 0 : index
    %get3A_22 = arith.constant 0 : index
    %get3A_23 = vector.load %arg1[%get3A_21, %get3A_22] : memref<256x3xf32, #tpu.memory_space<vmem>>, vector<256x3xf32>
    %mul3A_24 = arith.mulf %get3A_23, %get3A_23 : vector<256x3xf32>
    %reduce_sum3A_25 = arith.constant dense<0.000000e+00> : vector<256xf32>
    %reduce_sum3A_26 = vector.multi_reduction <add>, %mul3A_24, %reduce_sum3A_25 [1] : vector<256x3xf32> to vector<256xf32>
    %broadcast_in_dim3A_27 = vector.shape_cast %reduce_sum3A_26 : vector<256xf32> to vector<256x1xf32>
    %dot_general3A = arith.constant dense<0.000000e+00> : vector<256x4096xf32>
    %dot_general3A_28 = tpu.matmul %get3A_23, %get3A_19, %dot_general3A {dimension_numbers = #tpu.dot_dimension_numbers<[1], [0], [0], [1], [0, 0, 1, 1], [], []>, transpose_lhs_hint = false} : vector<256x3xf32>, vector<3x4096xf32>, vector<256x4096xf32> -> vector<256x4096xf32>
    %add3A = vector.broadcast %broadcast_in_dim3A_27 : vector<256x1xf32> to vector<256x4096xf32>
    %add3A_29 = vector.broadcast %broadcast_in_dim3A : vector<1x4096xf32> to vector<256x4096xf32>
    %add3A_30 = arith.addf %add3A, %add3A_29 : vector<256x4096xf32>
    %mul3A_31 = arith.constant 2.000000e+00 : f32
    %mul3A_32 = vector.broadcast %mul3A_31 : f32 to vector<256x4096xf32>
    %mul3A_33 = arith.mulf %mul3A_32, %dot_general3A_28 : vector<256x4096xf32>
    %sub3A_34 = arith.subf %add3A_30, %mul3A_33 : vector<256x4096xf32>
    %iota3A = tpu.iota {dimensions = array<i32: 1>} : vector<256x4096xi32>
    %iota3A_35 = tpu.iota {dimensions = array<i32: 1>} : vector<256x16xi32>
    %bitcast_convert_type3A = tpu.bitcast %sub3A_34 : vector<256x4096xf32> -> vector<256x4096xi32>
    %not3A = arith.constant 4095 : i32
    %not3A_36 = arith.constant -1 : i32
    %not3A_37 = arith.xori %not3A, %not3A_36 : i32
    %and3A_38 = vector.broadcast %not3A_37 : i32 to vector<256x4096xi32>
    %and3A_39 = arith.andi %bitcast_convert_type3A, %and3A_38 : vector<256x4096xi32>
    %or3A = arith.ori %and3A_39, %iota3A : vector<256x4096xi32>
    %broadcast_in_dim3A_40 = arith.constant 0 : i32
    %broadcast_in_dim3A_41 = vector.broadcast %broadcast_in_dim3A_40 : i32 to vector<256x16xi32>
    %broadcast_in_dim3A_42 = arith.constant 0.000000e+00 : f32
    %broadcast_in_dim3A_43 = vector.broadcast %broadcast_in_dim3A_42 : f32 to vector<256x16xf32>
    %reduce_min3A = arith.constant dense<2147483647> : vector<256xi32>
    %reduce_min3A_44 = vector.multi_reduction <minsi>, %or3A, %reduce_min3A [1] : vector<256x4096xi32> to vector<256xi32>
    %broadcast_in_dim3A_45 = vector.shape_cast %reduce_min3A_44 : vector<256xi32> to vector<256x1xi32>
    %not3A_46 = arith.constant 4095 : i32
    %not3A_47 = arith.constant -1 : i32
    %not3A_48 = arith.xori %not3A_46, %not3A_47 : i32
    %and3A_49 = vector.broadcast %not3A_48 : i32 to vector<256x1xi32>
    %and3A_50 = arith.andi %broadcast_in_dim3A_45, %and3A_49 : vector<256x1xi32>
    %bitcast_convert_type3A_51 = tpu.bitcast %and3A_50 : vector<256x1xi32> -> vector<256x1xf32>
    %eq3A = arith.constant 0 : i32
    %eq3A_52 = vector.broadcast %eq3A : i32 to vector<256x16xi32>
    %eq3A_53 = arith.cmpi eq, %iota3A_35, %eq3A_52 : vector<256x16xi32>
    %and3A_54 = arith.constant 4095 : i32
    %and3A_55 = vector.broadcast %and3A_54 : i32 to vector<256x1xi32>
    %and3A_56 = arith.andi %broadcast_in_dim3A_45, %and3A_55 : vector<256x1xi32>
    %mul3A_57 = arith.constant 4096 : i32
    %mul3A_58 = arith.muli %select_n3A, %mul3A_57 : i32
    %add3A_59 = vector.broadcast %mul3A_58 : i32 to vector<256x1xi32>
    %add3A_60 = arith.addi %and3A_56, %add3A_59 : vector<256x1xi32>
    %broadcast_in_dim3A_61 = vector.shape_cast %add3A_60 : vector<256x1xi32> to vector<256x1xi32>
    %broadcast_in_dim3A_62 = vector.broadcast %broadcast_in_dim3A_61 : vector<256x1xi32> to vector<256x16xi32>
    %select_n3A_63 = arith.select %eq3A_53, %broadcast_in_dim3A_62, %broadcast_in_dim3A_41 : vector<256x16xi1>, vector<256x16xi32>
    %eq3A_64 = arith.constant 0 : i32
    %eq3A_65 = vector.broadcast %eq3A_64 : i32 to vector<256x16xi32>
    %eq3A_66 = arith.cmpi eq, %iota3A_35, %eq3A_65 : vector<256x16xi32>
    %max3A = arith.constant 0.000000e+00 : f32
    %max3A_67 = vector.broadcast %max3A : f32 to vector<256x1xf32>
    %max3A_68 = arith.maximumf %bitcast_convert_type3A_51, %max3A_67 : vector<256x1xf32>
    %broadcast_in_dim3A_69 = vector.shape_cast %max3A_68 : vector<256x1xf32> to vector<256x1xf32>
    %broadcast_in_dim3A_70 = vector.broadcast %broadcast_in_dim3A_69 : vector<256x1xf32> to vector<256x16xf32>
    %select_n3A_71 = arith.select %eq3A_66, %broadcast_in_dim3A_70, %broadcast_in_dim3A_43 : vector<256x16xi1>, vector<256x16xf32>
    %eq3A_72 = vector.broadcast %broadcast_in_dim3A_45 : vector<256x1xi32> to vector<256x4096xi32>
    %eq3A_73 = arith.cmpi eq, %or3A, %eq3A_72 : vector<256x4096xi32>
    %jit3A_74 = arith.constant 2147483647 : i32
    %broadcast_in_dim3A_75 = vector.broadcast %jit3A_74 : i32 to vector<256x4096xi32>
    %select_n3A_76 = arith.select %eq3A_73, %broadcast_in_dim3A_75, %or3A : vector<256x4096xi1>, vector<256x4096xi32>
    %reduce_min3A_77 = arith.constant dense<2147483647> : vector<256xi32>
    %reduce_min3A_78 = vector.multi_reduction <minsi>, %select_n3A_76, %reduce_min3A_77 [1] : vector<256x4096xi32> to vector<256xi32>
    %broadcast_in_dim3A_79 = vector.shape_cast %reduce_min3A_78 : vector<256xi32> to vector<256x1xi32>
    %not3A_80 = arith.constant 4095 : i32
    %not3A_81 = arith.constant -1 : i32
    %not3A_82 = arith.xori %not3A_80, %not3A_81 : i32
    %and3A_83 = vector.broadcast %not3A_82 : i32 to vector<256x1xi32>
    %and3A_84 = arith.andi %broadcast_in_dim3A_79, %and3A_83 : vector<256x1xi32>
    %bitcast_convert_type3A_85 = tpu.bitcast %and3A_84 : vector<256x1xi32> -> vector<256x1xf32>
    %eq3A_86 = arith.constant 1 : i32
    %eq3A_87 = vector.broadcast %eq3A_86 : i32 to vector<256x16xi32>
    %eq3A_88 = arith.cmpi eq, %iota3A_35, %eq3A_87 : vector<256x16xi32>
    %and3A_89 = arith.constant 4095 : i32
    %and3A_90 = vector.broadcast %and3A_89 : i32 to vector<256x1xi32>
    %and3A_91 = arith.andi %broadcast_in_dim3A_79, %and3A_90 : vector<256x1xi32>
    %mul3A_92 = arith.constant 4096 : i32
    %mul3A_93 = arith.muli %select_n3A, %mul3A_92 : i32
    %add3A_94 = vector.broadcast %mul3A_93 : i32 to vector<256x1xi32>
    %add3A_95 = arith.addi %and3A_91, %add3A_94 : vector<256x1xi32>
    %broadcast_in_dim3A_96 = vector.shape_cast %add3A_95 : vector<256x1xi32> to vector<256x1xi32>
    %broadcast_in_dim3A_97 = vector.broadcast %broadcast_in_dim3A_96 : vector<256x1xi32> to vector<256x16xi32>
    %select_n3A_98 = arith.select %eq3A_88, %broadcast_in_dim3A_97, %select_n3A_63 : vector<256x16xi1>, vector<256x16xi32>
    %eq3A_99 = arith.constant 1 : i32
    %eq3A_100 = vector.broadcast %eq3A_99 : i32 to vector<256x16xi32>
    %eq3A_101 = arith.cmpi eq, %iota3A_35, %eq3A_100 : vector<256x16xi32>
    %max3A_102 = arith.constant 0.000000e+00 : f32
    %max3A_103 = vector.broadcast %max3A_102 : f32 to vector<256x1xf32>
    %max3A_104 = arith.maximumf %bitcast_convert_type3A_85, %max3A_103 : vector<256x1xf32>
    %broadcast_in_dim3A_105 = vector.shape_cast %max3A_104 : vector<256x1xf32> to vector<256x1xf32>
    %broadcast_in_dim3A_106 = vector.broadcast %broadcast_in_dim3A_105 : vector<256x1xf32> to vector<256x16xf32>
    %select_n3A_107 = arith.select %eq3A_101, %broadcast_in_dim3A_106, %select_n3A_71 : vector<256x16xi1>, vector<256x16xf32>
    %eq3A_108 = vector.broadcast %broadcast_in_dim3A_79 : vector<256x1xi32> to vector<256x4096xi32>
    %eq3A_109 = arith.cmpi eq, %select_n3A_76, %eq3A_108 : vector<256x4096xi32>
    %jit3A_110 = arith.constant 2147483647 : i32
    %broadcast_in_dim3A_111 = vector.broadcast %jit3A_110 : i32 to vector<256x4096xi32>
    %select_n3A_112 = arith.select %eq3A_109, %broadcast_in_dim3A_111, %select_n3A_76 : vector<256x4096xi1>, vector<256x4096xi32>
    %reduce_min3A_113 = arith.constant dense<2147483647> : vector<256xi32>
    %reduce_min3A_114 = vector.multi_reduction <minsi>, %select_n3A_112, %reduce_min3A_113 [1] : vector<256x4096xi32> to vector<256xi32>
    %broadcast_in_dim3A_115 = vector.shape_cast %reduce_min3A_114 : vector<256xi32> to vector<256x1xi32>
    %not3A_116 = arith.constant 4095 : i32
    %not3A_117 = arith.constant -1 : i32
    %not3A_118 = arith.xori %not3A_116, %not3A_117 : i32
    %and3A_119 = vector.broadcast %not3A_118 : i32 to vector<256x1xi32>
    %and3A_120 = arith.andi %broadcast_in_dim3A_115, %and3A_119 : vector<256x1xi32>
    %bitcast_convert_type3A_121 = tpu.bitcast %and3A_120 : vector<256x1xi32> -> vector<256x1xf32>
    %eq3A_122 = arith.constant 2 : i32
    %eq3A_123 = vector.broadcast %eq3A_122 : i32 to vector<256x16xi32>
    %eq3A_124 = arith.cmpi eq, %iota3A_35, %eq3A_123 : vector<256x16xi32>
    %and3A_125 = arith.constant 4095 : i32
    %and3A_126 = vector.broadcast %and3A_125 : i32 to vector<256x1xi32>
    %and3A_127 = arith.andi %broadcast_in_dim3A_115, %and3A_126 : vector<256x1xi32>
    %mul3A_128 = arith.constant 4096 : i32
    %mul3A_129 = arith.muli %select_n3A, %mul3A_128 : i32
    %add3A_130 = vector.broadcast %mul3A_129 : i32 to vector<256x1xi32>
    %add3A_131 = arith.addi %and3A_127, %add3A_130 : vector<256x1xi32>
    %broadcast_in_dim3A_132 = vector.shape_cast %add3A_131 : vector<256x1xi32> to vector<256x1xi32>
    %broadcast_in_dim3A_133 = vector.broadcast %broadcast_in_dim3A_132 : vector<256x1xi32> to vector<256x16xi32>
    %select_n3A_134 = arith.select %eq3A_124, %broadcast_in_dim3A_133, %select_n3A_98 : vector<256x16xi1>, vector<256x16xi32>
    %eq3A_135 = arith.constant 2 : i32
    %eq3A_136 = vector.broadcast %eq3A_135 : i32 to vector<256x16xi32>
    %eq3A_137 = arith.cmpi eq, %iota3A_35, %eq3A_136 : vector<256x16xi32>
    %max3A_138 = arith.constant 0.000000e+00 : f32
    %max3A_139 = vector.broadcast %max3A_138 : f32 to vector<256x1xf32>
    %max3A_140 = arith.maximumf %bitcast_convert_type3A_121, %max3A_139 : vector<256x1xf32>
    %broadcast_in_dim3A_141 = vector.shape_cast %max3A_140 : vector<256x1xf32> to vector<256x1xf32>
    %broadcast_in_dim3A_142 = vector.broadcast %broadcast_in_dim3A_141 : vector<256x1xf32> to vector<256x16xf32>
    %select_n3A_143 = arith.select %eq3A_137, %broadcast_in_dim3A_142, %select_n3A_107 : vector<256x16xi1>, vector<256x16xf32>
    %eq3A_144 = vector.broadcast %broadcast_in_dim3A_115 : vector<256x1xi32> to vector<256x4096xi32>
    %eq3A_145 = arith.cmpi eq, %select_n3A_112, %eq3A_144 : vector<256x4096xi32>
    %jit3A_146 = arith.constant 2147483647 : i32
    %broadcast_in_dim3A_147 = vector.broadcast %jit3A_146 : i32 to vector<256x4096xi32>
    %select_n3A_148 = arith.select %eq3A_145, %broadcast_in_dim3A_147, %select_n3A_112 : vector<256x4096xi1>, vector<256x4096xi32>
    %reduce_min3A_149 = arith.constant dense<2147483647> : vector<256xi32>
    %reduce_min3A_150 = vector.multi_reduction <minsi>, %select_n3A_148, %reduce_min3A_149 [1] : vector<256x4096xi32> to vector<256xi32>
    %broadcast_in_dim3A_151 = vector.shape_cast %reduce_min3A_150 : vector<256xi32> to vector<256x1xi32>
    %not3A_152 = arith.constant 4095 : i32
    %not3A_153 = arith.constant -1 : i32
    %not3A_154 = arith.xori %not3A_152, %not3A_153 : i32
    %and3A_155 = vector.broadcast %not3A_154 : i32 to vector<256x1xi32>
    %and3A_156 = arith.andi %broadcast_in_dim3A_151, %and3A_155 : vector<256x1xi32>
    %bitcast_convert_type3A_157 = tpu.bitcast %and3A_156 : vector<256x1xi32> -> vector<256x1xf32>
    %eq3A_158 = arith.constant 3 : i32
    %eq3A_159 = vector.broadcast %eq3A_158 : i32 to vector<256x16xi32>
    %eq3A_160 = arith.cmpi eq, %iota3A_35, %eq3A_159 : vector<256x16xi32>
    %and3A_161 = arith.constant 4095 : i32
    %and3A_162 = vector.broadcast %and3A_161 : i32 to vector<256x1xi32>
    %and3A_163 = arith.andi %broadcast_in_dim3A_151, %and3A_162 : vector<256x1xi32>
    %mul3A_164 = arith.constant 4096 : i32
    %mul3A_165 = arith.muli %select_n3A, %mul3A_164 : i32
    %add3A_166 = vector.broadcast %mul3A_165 : i32 to vector<256x1xi32>
    %add3A_167 = arith.addi %and3A_163, %add3A_166 : vector<256x1xi32>
    %broadcast_in_dim3A_168 = vector.shape_cast %add3A_167 : vector<256x1xi32> to vector<256x1xi32>
    %broadcast_in_dim3A_169 = vector.broadcast %broadcast_in_dim3A_168 : vector<256x1xi32> to vector<256x16xi32>
    %select_n3A_170 = arith.select %eq3A_160, %broadcast_in_dim3A_169, %select_n3A_134 : vector<256x16xi1>, vector<256x16xi32>
    %eq3A_171 = arith.constant 3 : i32
    %eq3A_172 = vector.broadcast %eq3A_171 : i32 to vector<256x16xi32>
    %eq3A_173 = arith.cmpi eq, %iota3A_35, %eq3A_172 : vector<256x16xi32>
    %max3A_174 = arith.constant 0.000000e+00 : f32
    %max3A_175 = vector.broadcast %max3A_174 : f32 to vector<256x1xf32>
    %max3A_176 = arith.maximumf %bitcast_convert_type3A_157, %max3A_175 : vector<256x1xf32>
    %broadcast_in_dim3A_177 = vector.shape_cast %max3A_176 : vector<256x1xf32> to vector<256x1xf32>
    %broadcast_in_dim3A_178 = vector.broadcast %broadcast_in_dim3A_177 : vector<256x1xf32> to vector<256x16xf32>
    %select_n3A_179 = arith.select %eq3A_173, %broadcast_in_dim3A_178, %select_n3A_143 : vector<256x16xi1>, vector<256x16xf32>
    %eq3A_180 = vector.broadcast %broadcast_in_dim3A_151 : vector<256x1xi32> to vector<256x4096xi32>
    %eq3A_181 = arith.cmpi eq, %select_n3A_148, %eq3A_180 : vector<256x4096xi32>
    %jit3A_182 = arith.constant 2147483647 : i32
    %broadcast_in_dim3A_183 = vector.broadcast %jit3A_182 : i32 to vector<256x4096xi32>
    %select_n3A_184 = arith.select %eq3A_181, %broadcast_in_dim3A_183, %select_n3A_148 : vector<256x4096xi1>, vector<256x4096xi32>
    %reduce_min3A_185 = arith.constant dense<2147483647> : vector<256xi32>
    %reduce_min3A_186 = vector.multi_reduction <minsi>, %select_n3A_184, %reduce_min3A_185 [1] : vector<256x4096xi32> to vector<256xi32>
    %broadcast_in_dim3A_187 = vector.shape_cast %reduce_min3A_186 : vector<256xi32> to vector<256x1xi32>
    %not3A_188 = arith.constant 4095 : i32
    %not3A_189 = arith.constant -1 : i32
    %not3A_190 = arith.xori %not3A_188, %not3A_189 : i32
    %and3A_191 = vector.broadcast %not3A_190 : i32 to vector<256x1xi32>
    %and3A_192 = arith.andi %broadcast_in_dim3A_187, %and3A_191 : vector<256x1xi32>
    %bitcast_convert_type3A_193 = tpu.bitcast %and3A_192 : vector<256x1xi32> -> vector<256x1xf32>
    %eq3A_194 = arith.constant 4 : i32
    %eq3A_195 = vector.broadcast %eq3A_194 : i32 to vector<256x16xi32>
    %eq3A_196 = arith.cmpi eq, %iota3A_35, %eq3A_195 : vector<256x16xi32>
    %and3A_197 = arith.constant 4095 : i32
    %and3A_198 = vector.broadcast %and3A_197 : i32 to vector<256x1xi32>
    %and3A_199 = arith.andi %broadcast_in_dim3A_187, %and3A_198 : vector<256x1xi32>
    %mul3A_200 = arith.constant 4096 : i32
    %mul3A_201 = arith.muli %select_n3A, %mul3A_200 : i32
    %add3A_202 = vector.broadcast %mul3A_201 : i32 to vector<256x1xi32>
    %add3A_203 = arith.addi %and3A_199, %add3A_202 : vector<256x1xi32>
    %broadcast_in_dim3A_204 = vector.shape_cast %add3A_203 : vector<256x1xi32> to vector<256x1xi32>
    %broadcast_in_dim3A_205 = vector.broadcast %broadcast_in_dim3A_204 : vector<256x1xi32> to vector<256x16xi32>
    %select_n3A_206 = arith.select %eq3A_196, %broadcast_in_dim3A_205, %select_n3A_170 : vector<256x16xi1>, vector<256x16xi32>
    %eq3A_207 = arith.constant 4 : i32
    %eq3A_208 = vector.broadcast %eq3A_207 : i32 to vector<256x16xi32>
    %eq3A_209 = arith.cmpi eq, %iota3A_35, %eq3A_208 : vector<256x16xi32>
    %max3A_210 = arith.constant 0.000000e+00 : f32
    %max3A_211 = vector.broadcast %max3A_210 : f32 to vector<256x1xf32>
    %max3A_212 = arith.maximumf %bitcast_convert_type3A_193, %max3A_211 : vector<256x1xf32>
    %broadcast_in_dim3A_213 = vector.shape_cast %max3A_212 : vector<256x1xf32> to vector<256x1xf32>
    %broadcast_in_dim3A_214 = vector.broadcast %broadcast_in_dim3A_213 : vector<256x1xf32> to vector<256x16xf32>
    %select_n3A_215 = arith.select %eq3A_209, %broadcast_in_dim3A_214, %select_n3A_179 : vector<256x16xi1>, vector<256x16xf32>
    %eq3A_216 = vector.broadcast %broadcast_in_dim3A_187 : vector<256x1xi32> to vector<256x4096xi32>
    %eq3A_217 = arith.cmpi eq, %select_n3A_184, %eq3A_216 : vector<256x4096xi32>
    %jit3A_218 = arith.constant 2147483647 : i32
    %broadcast_in_dim3A_219 = vector.broadcast %jit3A_218 : i32 to vector<256x4096xi32>
    %select_n3A_220 = arith.select %eq3A_217, %broadcast_in_dim3A_219, %select_n3A_184 : vector<256x4096xi1>, vector<256x4096xi32>
    %reduce_min3A_221 = arith.constant dense<2147483647> : vector<256xi32>
    %reduce_min3A_222 = vector.multi_reduction <minsi>, %select_n3A_220, %reduce_min3A_221 [1] : vector<256x4096xi32> to vector<256xi32>
    %broadcast_in_dim3A_223 = vector.shape_cast %reduce_min3A_222 : vector<256xi32> to vector<256x1xi32>
    %not3A_224 = arith.constant 4095 : i32
    %not3A_225 = arith.constant -1 : i32
    %not3A_226 = arith.xori %not3A_224, %not3A_225 : i32
    %and3A_227 = vector.broadcast %not3A_226 : i32 to vector<256x1xi32>
    %and3A_228 = arith.andi %broadcast_in_dim3A_223, %and3A_227 : vector<256x1xi32>
    %bitcast_convert_type3A_229 = tpu.bitcast %and3A_228 : vector<256x1xi32> -> vector<256x1xf32>
    %eq3A_230 = arith.constant 5 : i32
    %eq3A_231 = vector.broadcast %eq3A_230 : i32 to vector<256x16xi32>
    %eq3A_232 = arith.cmpi eq, %iota3A_35, %eq3A_231 : vector<256x16xi32>
    %and3A_233 = arith.constant 4095 : i32
    %and3A_234 = vector.broadcast %and3A_233 : i32 to vector<256x1xi32>
    %and3A_235 = arith.andi %broadcast_in_dim3A_223, %and3A_234 : vector<256x1xi32>
    %mul3A_236 = arith.constant 4096 : i32
    %mul3A_237 = arith.muli %select_n3A, %mul3A_236 : i32
    %add3A_238 = vector.broadcast %mul3A_237 : i32 to vector<256x1xi32>
    %add3A_239 = arith.addi %and3A_235, %add3A_238 : vector<256x1xi32>
    %broadcast_in_dim3A_240 = vector.shape_cast %add3A_239 : vector<256x1xi32> to vector<256x1xi32>
    %broadcast_in_dim3A_241 = vector.broadcast %broadcast_in_dim3A_240 : vector<256x1xi32> to vector<256x16xi32>
    %select_n3A_242 = arith.select %eq3A_232, %broadcast_in_dim3A_241, %select_n3A_206 : vector<256x16xi1>, vector<256x16xi32>
    %eq3A_243 = arith.constant 5 : i32
    %eq3A_244 = vector.broadcast %eq3A_243 : i32 to vector<256x16xi32>
    %eq3A_245 = arith.cmpi eq, %iota3A_35, %eq3A_244 : vector<256x16xi32>
    %max3A_246 = arith.constant 0.000000e+00 : f32
    %max3A_247 = vector.broadcast %max3A_246 : f32 to vector<256x1xf32>
    %max3A_248 = arith.maximumf %bitcast_convert_type3A_229, %max3A_247 : vector<256x1xf32>
    %broadcast_in_dim3A_249 = vector.shape_cast %max3A_248 : vector<256x1xf32> to vector<256x1xf32>
    %broadcast_in_dim3A_250 = vector.broadcast %broadcast_in_dim3A_249 : vector<256x1xf32> to vector<256x16xf32>
    %select_n3A_251 = arith.select %eq3A_245, %broadcast_in_dim3A_250, %select_n3A_215 : vector<256x16xi1>, vector<256x16xf32>
    %eq3A_252 = vector.broadcast %broadcast_in_dim3A_223 : vector<256x1xi32> to vector<256x4096xi32>
    %eq3A_253 = arith.cmpi eq, %select_n3A_220, %eq3A_252 : vector<256x4096xi32>
    %jit3A_254 = arith.constant 2147483647 : i32
    %broadcast_in_dim3A_255 = vector.broadcast %jit3A_254 : i32 to vector<256x4096xi32>
    %select_n3A_256 = arith.select %eq3A_253, %broadcast_in_dim3A_255, %select_n3A_220 : vector<256x4096xi1>, vector<256x4096xi32>
    %reduce_min3A_257 = arith.constant dense<2147483647> : vector<256xi32>
    %reduce_min3A_258 = vector.multi_reduction <minsi>, %select_n3A_256, %reduce_min3A_257 [1] : vector<256x4096xi32> to vector<256xi32>
    %broadcast_in_dim3A_259 = vector.shape_cast %reduce_min3A_258 : vector<256xi32> to vector<256x1xi32>
    %not3A_260 = arith.constant 4095 : i32
    %not3A_261 = arith.constant -1 : i32
    %not3A_262 = arith.xori %not3A_260, %not3A_261 : i32
    %and3A_263 = vector.broadcast %not3A_262 : i32 to vector<256x1xi32>
    %and3A_264 = arith.andi %broadcast_in_dim3A_259, %and3A_263 : vector<256x1xi32>
    %bitcast_convert_type3A_265 = tpu.bitcast %and3A_264 : vector<256x1xi32> -> vector<256x1xf32>
    %eq3A_266 = arith.constant 6 : i32
    %eq3A_267 = vector.broadcast %eq3A_266 : i32 to vector<256x16xi32>
    %eq3A_268 = arith.cmpi eq, %iota3A_35, %eq3A_267 : vector<256x16xi32>
    %and3A_269 = arith.constant 4095 : i32
    %and3A_270 = vector.broadcast %and3A_269 : i32 to vector<256x1xi32>
    %and3A_271 = arith.andi %broadcast_in_dim3A_259, %and3A_270 : vector<256x1xi32>
    %mul3A_272 = arith.constant 4096 : i32
    %mul3A_273 = arith.muli %select_n3A, %mul3A_272 : i32
    %add3A_274 = vector.broadcast %mul3A_273 : i32 to vector<256x1xi32>
    %add3A_275 = arith.addi %and3A_271, %add3A_274 : vector<256x1xi32>
    %broadcast_in_dim3A_276 = vector.shape_cast %add3A_275 : vector<256x1xi32> to vector<256x1xi32>
    %broadcast_in_dim3A_277 = vector.broadcast %broadcast_in_dim3A_276 : vector<256x1xi32> to vector<256x16xi32>
    %select_n3A_278 = arith.select %eq3A_268, %broadcast_in_dim3A_277, %select_n3A_242 : vector<256x16xi1>, vector<256x16xi32>
    %eq3A_279 = arith.constant 6 : i32
    %eq3A_280 = vector.broadcast %eq3A_279 : i32 to vector<256x16xi32>
    %eq3A_281 = arith.cmpi eq, %iota3A_35, %eq3A_280 : vector<256x16xi32>
    %max3A_282 = arith.constant 0.000000e+00 : f32
    %max3A_283 = vector.broadcast %max3A_282 : f32 to vector<256x1xf32>
    %max3A_284 = arith.maximumf %bitcast_convert_type3A_265, %max3A_283 : vector<256x1xf32>
    %broadcast_in_dim3A_285 = vector.shape_cast %max3A_284 : vector<256x1xf32> to vector<256x1xf32>
    %broadcast_in_dim3A_286 = vector.broadcast %broadcast_in_dim3A_285 : vector<256x1xf32> to vector<256x16xf32>
    %select_n3A_287 = arith.select %eq3A_281, %broadcast_in_dim3A_286, %select_n3A_251 : vector<256x16xi1>, vector<256x16xf32>
    %eq3A_288 = vector.broadcast %broadcast_in_dim3A_259 : vector<256x1xi32> to vector<256x4096xi32>
    %eq3A_289 = arith.cmpi eq, %select_n3A_256, %eq3A_288 : vector<256x4096xi32>
    %jit3A_290 = arith.constant 2147483647 : i32
    %broadcast_in_dim3A_291 = vector.broadcast %jit3A_290 : i32 to vector<256x4096xi32>
    %select_n3A_292 = arith.select %eq3A_289, %broadcast_in_dim3A_291, %select_n3A_256 : vector<256x4096xi1>, vector<256x4096xi32>
    %reduce_min3A_293 = arith.constant dense<2147483647> : vector<256xi32>
    %reduce_min3A_294 = vector.multi_reduction <minsi>, %select_n3A_292, %reduce_min3A_293 [1] : vector<256x4096xi32> to vector<256xi32>
    %broadcast_in_dim3A_295 = vector.shape_cast %reduce_min3A_294 : vector<256xi32> to vector<256x1xi32>
    %not3A_296 = arith.constant 4095 : i32
    %not3A_297 = arith.constant -1 : i32
    %not3A_298 = arith.xori %not3A_296, %not3A_297 : i32
    %and3A_299 = vector.broadcast %not3A_298 : i32 to vector<256x1xi32>
    %and3A_300 = arith.andi %broadcast_in_dim3A_295, %and3A_299 : vector<256x1xi32>
    %bitcast_convert_type3A_301 = tpu.bitcast %and3A_300 : vector<256x1xi32> -> vector<256x1xf32>
    %eq3A_302 = arith.constant 7 : i32
    %eq3A_303 = vector.broadcast %eq3A_302 : i32 to vector<256x16xi32>
    %eq3A_304 = arith.cmpi eq, %iota3A_35, %eq3A_303 : vector<256x16xi32>
    %and3A_305 = arith.constant 4095 : i32
    %and3A_306 = vector.broadcast %and3A_305 : i32 to vector<256x1xi32>
    %and3A_307 = arith.andi %broadcast_in_dim3A_295, %and3A_306 : vector<256x1xi32>
    %mul3A_308 = arith.constant 4096 : i32
    %mul3A_309 = arith.muli %select_n3A, %mul3A_308 : i32
    %add3A_310 = vector.broadcast %mul3A_309 : i32 to vector<256x1xi32>
    %add3A_311 = arith.addi %and3A_307, %add3A_310 : vector<256x1xi32>
    %broadcast_in_dim3A_312 = vector.shape_cast %add3A_311 : vector<256x1xi32> to vector<256x1xi32>
    %broadcast_in_dim3A_313 = vector.broadcast %broadcast_in_dim3A_312 : vector<256x1xi32> to vector<256x16xi32>
    %select_n3A_314 = arith.select %eq3A_304, %broadcast_in_dim3A_313, %select_n3A_278 : vector<256x16xi1>, vector<256x16xi32>
    %eq3A_315 = arith.constant 7 : i32
    %eq3A_316 = vector.broadcast %eq3A_315 : i32 to vector<256x16xi32>
    %eq3A_317 = arith.cmpi eq, %iota3A_35, %eq3A_316 : vector<256x16xi32>
    %max3A_318 = arith.constant 0.000000e+00 : f32
    %max3A_319 = vector.broadcast %max3A_318 : f32 to vector<256x1xf32>
    %max3A_320 = arith.maximumf %bitcast_convert_type3A_301, %max3A_319 : vector<256x1xf32>
    %broadcast_in_dim3A_321 = vector.shape_cast %max3A_320 : vector<256x1xf32> to vector<256x1xf32>
    %broadcast_in_dim3A_322 = vector.broadcast %broadcast_in_dim3A_321 : vector<256x1xf32> to vector<256x16xf32>
    %select_n3A_323 = arith.select %eq3A_317, %broadcast_in_dim3A_322, %select_n3A_287 : vector<256x16xi1>, vector<256x16xf32>
    %eq3A_324 = vector.broadcast %broadcast_in_dim3A_295 : vector<256x1xi32> to vector<256x4096xi32>
    %eq3A_325 = arith.cmpi eq, %select_n3A_292, %eq3A_324 : vector<256x4096xi32>
    %jit3A_326 = arith.constant 2147483647 : i32
    %broadcast_in_dim3A_327 = vector.broadcast %jit3A_326 : i32 to vector<256x4096xi32>
    %select_n3A_328 = arith.select %eq3A_325, %broadcast_in_dim3A_327, %select_n3A_292 : vector<256x4096xi1>, vector<256x4096xi32>
    %reduce_min3A_329 = arith.constant dense<2147483647> : vector<256xi32>
    %reduce_min3A_330 = vector.multi_reduction <minsi>, %select_n3A_328, %reduce_min3A_329 [1] : vector<256x4096xi32> to vector<256xi32>
    %broadcast_in_dim3A_331 = vector.shape_cast %reduce_min3A_330 : vector<256xi32> to vector<256x1xi32>
    %not3A_332 = arith.constant 4095 : i32
    %not3A_333 = arith.constant -1 : i32
    %not3A_334 = arith.xori %not3A_332, %not3A_333 : i32
    %and3A_335 = vector.broadcast %not3A_334 : i32 to vector<256x1xi32>
    %and3A_336 = arith.andi %broadcast_in_dim3A_331, %and3A_335 : vector<256x1xi32>
    %bitcast_convert_type3A_337 = tpu.bitcast %and3A_336 : vector<256x1xi32> -> vector<256x1xf32>
    %eq3A_338 = arith.constant 8 : i32
    %eq3A_339 = vector.broadcast %eq3A_338 : i32 to vector<256x16xi32>
    %eq3A_340 = arith.cmpi eq, %iota3A_35, %eq3A_339 : vector<256x16xi32>
    %and3A_341 = arith.constant 4095 : i32
    %and3A_342 = vector.broadcast %and3A_341 : i32 to vector<256x1xi32>
    %and3A_343 = arith.andi %broadcast_in_dim3A_331, %and3A_342 : vector<256x1xi32>
    %mul3A_344 = arith.constant 4096 : i32
    %mul3A_345 = arith.muli %select_n3A, %mul3A_344 : i32
    %add3A_346 = vector.broadcast %mul3A_345 : i32 to vector<256x1xi32>
    %add3A_347 = arith.addi %and3A_343, %add3A_346 : vector<256x1xi32>
    %broadcast_in_dim3A_348 = vector.shape_cast %add3A_347 : vector<256x1xi32> to vector<256x1xi32>
    %broadcast_in_dim3A_349 = vector.broadcast %broadcast_in_dim3A_348 : vector<256x1xi32> to vector<256x16xi32>
    %select_n3A_350 = arith.select %eq3A_340, %broadcast_in_dim3A_349, %select_n3A_314 : vector<256x16xi1>, vector<256x16xi32>
    %eq3A_351 = arith.constant 8 : i32
    %eq3A_352 = vector.broadcast %eq3A_351 : i32 to vector<256x16xi32>
    %eq3A_353 = arith.cmpi eq, %iota3A_35, %eq3A_352 : vector<256x16xi32>
    %max3A_354 = arith.constant 0.000000e+00 : f32
    %max3A_355 = vector.broadcast %max3A_354 : f32 to vector<256x1xf32>
    %max3A_356 = arith.maximumf %bitcast_convert_type3A_337, %max3A_355 : vector<256x1xf32>
    %broadcast_in_dim3A_357 = vector.shape_cast %max3A_356 : vector<256x1xf32> to vector<256x1xf32>
    %broadcast_in_dim3A_358 = vector.broadcast %broadcast_in_dim3A_357 : vector<256x1xf32> to vector<256x16xf32>
    %select_n3A_359 = arith.select %eq3A_353, %broadcast_in_dim3A_358, %select_n3A_323 : vector<256x16xi1>, vector<256x16xf32>
    %eq3A_360 = vector.broadcast %broadcast_in_dim3A_331 : vector<256x1xi32> to vector<256x4096xi32>
    %eq3A_361 = arith.cmpi eq, %select_n3A_328, %eq3A_360 : vector<256x4096xi32>
    %jit3A_362 = arith.constant 2147483647 : i32
    %broadcast_in_dim3A_363 = vector.broadcast %jit3A_362 : i32 to vector<256x4096xi32>
    %select_n3A_364 = arith.select %eq3A_361, %broadcast_in_dim3A_363, %select_n3A_328 : vector<256x4096xi1>, vector<256x4096xi32>
    %reduce_min3A_365 = arith.constant dense<2147483647> : vector<256xi32>
    %reduce_min3A_366 = vector.multi_reduction <minsi>, %select_n3A_364, %reduce_min3A_365 [1] : vector<256x4096xi32> to vector<256xi32>
    %broadcast_in_dim3A_367 = vector.shape_cast %reduce_min3A_366 : vector<256xi32> to vector<256x1xi32>
    %not3A_368 = arith.constant 4095 : i32
    %not3A_369 = arith.constant -1 : i32
    %not3A_370 = arith.xori %not3A_368, %not3A_369 : i32
    %and3A_371 = vector.broadcast %not3A_370 : i32 to vector<256x1xi32>
    %and3A_372 = arith.andi %broadcast_in_dim3A_367, %and3A_371 : vector<256x1xi32>
    %bitcast_convert_type3A_373 = tpu.bitcast %and3A_372 : vector<256x1xi32> -> vector<256x1xf32>
    %eq3A_374 = arith.constant 9 : i32
    %eq3A_375 = vector.broadcast %eq3A_374 : i32 to vector<256x16xi32>
    %eq3A_376 = arith.cmpi eq, %iota3A_35, %eq3A_375 : vector<256x16xi32>
    %and3A_377 = arith.constant 4095 : i32
    %and3A_378 = vector.broadcast %and3A_377 : i32 to vector<256x1xi32>
    %and3A_379 = arith.andi %broadcast_in_dim3A_367, %and3A_378 : vector<256x1xi32>
    %mul3A_380 = arith.constant 4096 : i32
    %mul3A_381 = arith.muli %select_n3A, %mul3A_380 : i32
    %add3A_382 = vector.broadcast %mul3A_381 : i32 to vector<256x1xi32>
    %add3A_383 = arith.addi %and3A_379, %add3A_382 : vector<256x1xi32>
    %broadcast_in_dim3A_384 = vector.shape_cast %add3A_383 : vector<256x1xi32> to vector<256x1xi32>
    %broadcast_in_dim3A_385 = vector.broadcast %broadcast_in_dim3A_384 : vector<256x1xi32> to vector<256x16xi32>
    %select_n3A_386 = arith.select %eq3A_376, %broadcast_in_dim3A_385, %select_n3A_350 : vector<256x16xi1>, vector<256x16xi32>
    %eq3A_387 = arith.constant 9 : i32
    %eq3A_388 = vector.broadcast %eq3A_387 : i32 to vector<256x16xi32>
    %eq3A_389 = arith.cmpi eq, %iota3A_35, %eq3A_388 : vector<256x16xi32>
    %max3A_390 = arith.constant 0.000000e+00 : f32
    %max3A_391 = vector.broadcast %max3A_390 : f32 to vector<256x1xf32>
    %max3A_392 = arith.maximumf %bitcast_convert_type3A_373, %max3A_391 : vector<256x1xf32>
    %broadcast_in_dim3A_393 = vector.shape_cast %max3A_392 : vector<256x1xf32> to vector<256x1xf32>
    %broadcast_in_dim3A_394 = vector.broadcast %broadcast_in_dim3A_393 : vector<256x1xf32> to vector<256x16xf32>
    %select_n3A_395 = arith.select %eq3A_389, %broadcast_in_dim3A_394, %select_n3A_359 : vector<256x16xi1>, vector<256x16xf32>
    %eq3A_396 = vector.broadcast %broadcast_in_dim3A_367 : vector<256x1xi32> to vector<256x4096xi32>
    %eq3A_397 = arith.cmpi eq, %select_n3A_364, %eq3A_396 : vector<256x4096xi32>
    %jit3A_398 = arith.constant 2147483647 : i32
    %broadcast_in_dim3A_399 = vector.broadcast %jit3A_398 : i32 to vector<256x4096xi32>
    %select_n3A_400 = arith.select %eq3A_397, %broadcast_in_dim3A_399, %select_n3A_364 : vector<256x4096xi1>, vector<256x4096xi32>
    %reduce_min3A_401 = arith.constant dense<2147483647> : vector<256xi32>
    %reduce_min3A_402 = vector.multi_reduction <minsi>, %select_n3A_400, %reduce_min3A_401 [1] : vector<256x4096xi32> to vector<256xi32>
    %broadcast_in_dim3A_403 = vector.shape_cast %reduce_min3A_402 : vector<256xi32> to vector<256x1xi32>
    %not3A_404 = arith.constant 4095 : i32
    %not3A_405 = arith.constant -1 : i32
    %not3A_406 = arith.xori %not3A_404, %not3A_405 : i32
    %and3A_407 = vector.broadcast %not3A_406 : i32 to vector<256x1xi32>
    %and3A_408 = arith.andi %broadcast_in_dim3A_403, %and3A_407 : vector<256x1xi32>
    %bitcast_convert_type3A_409 = tpu.bitcast %and3A_408 : vector<256x1xi32> -> vector<256x1xf32>
    %eq3A_410 = arith.constant 10 : i32
    %eq3A_411 = vector.broadcast %eq3A_410 : i32 to vector<256x16xi32>
    %eq3A_412 = arith.cmpi eq, %iota3A_35, %eq3A_411 : vector<256x16xi32>
    %and3A_413 = arith.constant 4095 : i32
    %and3A_414 = vector.broadcast %and3A_413 : i32 to vector<256x1xi32>
    %and3A_415 = arith.andi %broadcast_in_dim3A_403, %and3A_414 : vector<256x1xi32>
    %mul3A_416 = arith.constant 4096 : i32
    %mul3A_417 = arith.muli %select_n3A, %mul3A_416 : i32
    %add3A_418 = vector.broadcast %mul3A_417 : i32 to vector<256x1xi32>
    %add3A_419 = arith.addi %and3A_415, %add3A_418 : vector<256x1xi32>
    %broadcast_in_dim3A_420 = vector.shape_cast %add3A_419 : vector<256x1xi32> to vector<256x1xi32>
    %broadcast_in_dim3A_421 = vector.broadcast %broadcast_in_dim3A_420 : vector<256x1xi32> to vector<256x16xi32>
    %select_n3A_422 = arith.select %eq3A_412, %broadcast_in_dim3A_421, %select_n3A_386 : vector<256x16xi1>, vector<256x16xi32>
    %eq3A_423 = arith.constant 10 : i32
    %eq3A_424 = vector.broadcast %eq3A_423 : i32 to vector<256x16xi32>
    %eq3A_425 = arith.cmpi eq, %iota3A_35, %eq3A_424 : vector<256x16xi32>
    %max3A_426 = arith.constant 0.000000e+00 : f32
    %max3A_427 = vector.broadcast %max3A_426 : f32 to vector<256x1xf32>
    %max3A_428 = arith.maximumf %bitcast_convert_type3A_409, %max3A_427 : vector<256x1xf32>
    %broadcast_in_dim3A_429 = vector.shape_cast %max3A_428 : vector<256x1xf32> to vector<256x1xf32>
    %broadcast_in_dim3A_430 = vector.broadcast %broadcast_in_dim3A_429 : vector<256x1xf32> to vector<256x16xf32>
    %select_n3A_431 = arith.select %eq3A_425, %broadcast_in_dim3A_430, %select_n3A_395 : vector<256x16xi1>, vector<256x16xf32>
    %eq3A_432 = vector.broadcast %broadcast_in_dim3A_403 : vector<256x1xi32> to vector<256x4096xi32>
    %eq3A_433 = arith.cmpi eq, %select_n3A_400, %eq3A_432 : vector<256x4096xi32>
    %jit3A_434 = arith.constant 2147483647 : i32
    %broadcast_in_dim3A_435 = vector.broadcast %jit3A_434 : i32 to vector<256x4096xi32>
    %select_n3A_436 = arith.select %eq3A_433, %broadcast_in_dim3A_435, %select_n3A_400 : vector<256x4096xi1>, vector<256x4096xi32>
    %reduce_min3A_437 = arith.constant dense<2147483647> : vector<256xi32>
    %reduce_min3A_438 = vector.multi_reduction <minsi>, %select_n3A_436, %reduce_min3A_437 [1] : vector<256x4096xi32> to vector<256xi32>
    %broadcast_in_dim3A_439 = vector.shape_cast %reduce_min3A_438 : vector<256xi32> to vector<256x1xi32>
    %not3A_440 = arith.constant 4095 : i32
    %not3A_441 = arith.constant -1 : i32
    %not3A_442 = arith.xori %not3A_440, %not3A_441 : i32
    %and3A_443 = vector.broadcast %not3A_442 : i32 to vector<256x1xi32>
    %and3A_444 = arith.andi %broadcast_in_dim3A_439, %and3A_443 : vector<256x1xi32>
    %bitcast_convert_type3A_445 = tpu.bitcast %and3A_444 : vector<256x1xi32> -> vector<256x1xf32>
    %eq3A_446 = arith.constant 11 : i32
    %eq3A_447 = vector.broadcast %eq3A_446 : i32 to vector<256x16xi32>
    %eq3A_448 = arith.cmpi eq, %iota3A_35, %eq3A_447 : vector<256x16xi32>
    %and3A_449 = arith.constant 4095 : i32
    %and3A_450 = vector.broadcast %and3A_449 : i32 to vector<256x1xi32>
    %and3A_451 = arith.andi %broadcast_in_dim3A_439, %and3A_450 : vector<256x1xi32>
    %mul3A_452 = arith.constant 4096 : i32
    %mul3A_453 = arith.muli %select_n3A, %mul3A_452 : i32
    %add3A_454 = vector.broadcast %mul3A_453 : i32 to vector<256x1xi32>
    %add3A_455 = arith.addi %and3A_451, %add3A_454 : vector<256x1xi32>
    %broadcast_in_dim3A_456 = vector.shape_cast %add3A_455 : vector<256x1xi32> to vector<256x1xi32>
    %broadcast_in_dim3A_457 = vector.broadcast %broadcast_in_dim3A_456 : vector<256x1xi32> to vector<256x16xi32>
    %select_n3A_458 = arith.select %eq3A_448, %broadcast_in_dim3A_457, %select_n3A_422 : vector<256x16xi1>, vector<256x16xi32>
    %eq3A_459 = arith.constant 11 : i32
    %eq3A_460 = vector.broadcast %eq3A_459 : i32 to vector<256x16xi32>
    %eq3A_461 = arith.cmpi eq, %iota3A_35, %eq3A_460 : vector<256x16xi32>
    %max3A_462 = arith.constant 0.000000e+00 : f32
    %max3A_463 = vector.broadcast %max3A_462 : f32 to vector<256x1xf32>
    %max3A_464 = arith.maximumf %bitcast_convert_type3A_445, %max3A_463 : vector<256x1xf32>
    %broadcast_in_dim3A_465 = vector.shape_cast %max3A_464 : vector<256x1xf32> to vector<256x1xf32>
    %broadcast_in_dim3A_466 = vector.broadcast %broadcast_in_dim3A_465 : vector<256x1xf32> to vector<256x16xf32>
    %select_n3A_467 = arith.select %eq3A_461, %broadcast_in_dim3A_466, %select_n3A_431 : vector<256x16xi1>, vector<256x16xf32>
    %eq3A_468 = vector.broadcast %broadcast_in_dim3A_439 : vector<256x1xi32> to vector<256x4096xi32>
    %eq3A_469 = arith.cmpi eq, %select_n3A_436, %eq3A_468 : vector<256x4096xi32>
    %jit3A_470 = arith.constant 2147483647 : i32
    %broadcast_in_dim3A_471 = vector.broadcast %jit3A_470 : i32 to vector<256x4096xi32>
    %select_n3A_472 = arith.select %eq3A_469, %broadcast_in_dim3A_471, %select_n3A_436 : vector<256x4096xi1>, vector<256x4096xi32>
    %reduce_min3A_473 = arith.constant dense<2147483647> : vector<256xi32>
    %reduce_min3A_474 = vector.multi_reduction <minsi>, %select_n3A_472, %reduce_min3A_473 [1] : vector<256x4096xi32> to vector<256xi32>
    %broadcast_in_dim3A_475 = vector.shape_cast %reduce_min3A_474 : vector<256xi32> to vector<256x1xi32>
    %not3A_476 = arith.constant 4095 : i32
    %not3A_477 = arith.constant -1 : i32
    %not3A_478 = arith.xori %not3A_476, %not3A_477 : i32
    %and3A_479 = vector.broadcast %not3A_478 : i32 to vector<256x1xi32>
    %and3A_480 = arith.andi %broadcast_in_dim3A_475, %and3A_479 : vector<256x1xi32>
    %bitcast_convert_type3A_481 = tpu.bitcast %and3A_480 : vector<256x1xi32> -> vector<256x1xf32>
    %eq3A_482 = arith.constant 12 : i32
    %eq3A_483 = vector.broadcast %eq3A_482 : i32 to vector<256x16xi32>
    %eq3A_484 = arith.cmpi eq, %iota3A_35, %eq3A_483 : vector<256x16xi32>
    %and3A_485 = arith.constant 4095 : i32
    %and3A_486 = vector.broadcast %and3A_485 : i32 to vector<256x1xi32>
    %and3A_487 = arith.andi %broadcast_in_dim3A_475, %and3A_486 : vector<256x1xi32>
    %mul3A_488 = arith.constant 4096 : i32
    %mul3A_489 = arith.muli %select_n3A, %mul3A_488 : i32
    %add3A_490 = vector.broadcast %mul3A_489 : i32 to vector<256x1xi32>
    %add3A_491 = arith.addi %and3A_487, %add3A_490 : vector<256x1xi32>
    %broadcast_in_dim3A_492 = vector.shape_cast %add3A_491 : vector<256x1xi32> to vector<256x1xi32>
    %broadcast_in_dim3A_493 = vector.broadcast %broadcast_in_dim3A_492 : vector<256x1xi32> to vector<256x16xi32>
    %select_n3A_494 = arith.select %eq3A_484, %broadcast_in_dim3A_493, %select_n3A_458 : vector<256x16xi1>, vector<256x16xi32>
    %eq3A_495 = arith.constant 12 : i32
    %eq3A_496 = vector.broadcast %eq3A_495 : i32 to vector<256x16xi32>
    %eq3A_497 = arith.cmpi eq, %iota3A_35, %eq3A_496 : vector<256x16xi32>
    %max3A_498 = arith.constant 0.000000e+00 : f32
    %max3A_499 = vector.broadcast %max3A_498 : f32 to vector<256x1xf32>
    %max3A_500 = arith.maximumf %bitcast_convert_type3A_481, %max3A_499 : vector<256x1xf32>
    %broadcast_in_dim3A_501 = vector.shape_cast %max3A_500 : vector<256x1xf32> to vector<256x1xf32>
    %broadcast_in_dim3A_502 = vector.broadcast %broadcast_in_dim3A_501 : vector<256x1xf32> to vector<256x16xf32>
    %select_n3A_503 = arith.select %eq3A_497, %broadcast_in_dim3A_502, %select_n3A_467 : vector<256x16xi1>, vector<256x16xf32>
    %eq3A_504 = vector.broadcast %broadcast_in_dim3A_475 : vector<256x1xi32> to vector<256x4096xi32>
    %eq3A_505 = arith.cmpi eq, %select_n3A_472, %eq3A_504 : vector<256x4096xi32>
    %jit3A_506 = arith.constant 2147483647 : i32
    %broadcast_in_dim3A_507 = vector.broadcast %jit3A_506 : i32 to vector<256x4096xi32>
    %select_n3A_508 = arith.select %eq3A_505, %broadcast_in_dim3A_507, %select_n3A_472 : vector<256x4096xi1>, vector<256x4096xi32>
    %reduce_min3A_509 = arith.constant dense<2147483647> : vector<256xi32>
    %reduce_min3A_510 = vector.multi_reduction <minsi>, %select_n3A_508, %reduce_min3A_509 [1] : vector<256x4096xi32> to vector<256xi32>
    %broadcast_in_dim3A_511 = vector.shape_cast %reduce_min3A_510 : vector<256xi32> to vector<256x1xi32>
    %not3A_512 = arith.constant 4095 : i32
    %not3A_513 = arith.constant -1 : i32
    %not3A_514 = arith.xori %not3A_512, %not3A_513 : i32
    %and3A_515 = vector.broadcast %not3A_514 : i32 to vector<256x1xi32>
    %and3A_516 = arith.andi %broadcast_in_dim3A_511, %and3A_515 : vector<256x1xi32>
    %bitcast_convert_type3A_517 = tpu.bitcast %and3A_516 : vector<256x1xi32> -> vector<256x1xf32>
    %eq3A_518 = arith.constant 13 : i32
    %eq3A_519 = vector.broadcast %eq3A_518 : i32 to vector<256x16xi32>
    %eq3A_520 = arith.cmpi eq, %iota3A_35, %eq3A_519 : vector<256x16xi32>
    %and3A_521 = arith.constant 4095 : i32
    %and3A_522 = vector.broadcast %and3A_521 : i32 to vector<256x1xi32>
    %and3A_523 = arith.andi %broadcast_in_dim3A_511, %and3A_522 : vector<256x1xi32>
    %mul3A_524 = arith.constant 4096 : i32
    %mul3A_525 = arith.muli %select_n3A, %mul3A_524 : i32
    %add3A_526 = vector.broadcast %mul3A_525 : i32 to vector<256x1xi32>
    %add3A_527 = arith.addi %and3A_523, %add3A_526 : vector<256x1xi32>
    %broadcast_in_dim3A_528 = vector.shape_cast %add3A_527 : vector<256x1xi32> to vector<256x1xi32>
    %broadcast_in_dim3A_529 = vector.broadcast %broadcast_in_dim3A_528 : vector<256x1xi32> to vector<256x16xi32>
    %select_n3A_530 = arith.select %eq3A_520, %broadcast_in_dim3A_529, %select_n3A_494 : vector<256x16xi1>, vector<256x16xi32>
    %eq3A_531 = arith.constant 13 : i32
    %eq3A_532 = vector.broadcast %eq3A_531 : i32 to vector<256x16xi32>
    %eq3A_533 = arith.cmpi eq, %iota3A_35, %eq3A_532 : vector<256x16xi32>
    %max3A_534 = arith.constant 0.000000e+00 : f32
    %max3A_535 = vector.broadcast %max3A_534 : f32 to vector<256x1xf32>
    %max3A_536 = arith.maximumf %bitcast_convert_type3A_517, %max3A_535 : vector<256x1xf32>
    %broadcast_in_dim3A_537 = vector.shape_cast %max3A_536 : vector<256x1xf32> to vector<256x1xf32>
    %broadcast_in_dim3A_538 = vector.broadcast %broadcast_in_dim3A_537 : vector<256x1xf32> to vector<256x16xf32>
    %select_n3A_539 = arith.select %eq3A_533, %broadcast_in_dim3A_538, %select_n3A_503 : vector<256x16xi1>, vector<256x16xf32>
    %eq3A_540 = vector.broadcast %broadcast_in_dim3A_511 : vector<256x1xi32> to vector<256x4096xi32>
    %eq3A_541 = arith.cmpi eq, %select_n3A_508, %eq3A_540 : vector<256x4096xi32>
    %jit3A_542 = arith.constant 2147483647 : i32
    %broadcast_in_dim3A_543 = vector.broadcast %jit3A_542 : i32 to vector<256x4096xi32>
    %select_n3A_544 = arith.select %eq3A_541, %broadcast_in_dim3A_543, %select_n3A_508 : vector<256x4096xi1>, vector<256x4096xi32>
    %reduce_min3A_545 = arith.constant dense<2147483647> : vector<256xi32>
    %reduce_min3A_546 = vector.multi_reduction <minsi>, %select_n3A_544, %reduce_min3A_545 [1] : vector<256x4096xi32> to vector<256xi32>
    %broadcast_in_dim3A_547 = vector.shape_cast %reduce_min3A_546 : vector<256xi32> to vector<256x1xi32>
    %not3A_548 = arith.constant 4095 : i32
    %not3A_549 = arith.constant -1 : i32
    %not3A_550 = arith.xori %not3A_548, %not3A_549 : i32
    %and3A_551 = vector.broadcast %not3A_550 : i32 to vector<256x1xi32>
    %and3A_552 = arith.andi %broadcast_in_dim3A_547, %and3A_551 : vector<256x1xi32>
    %bitcast_convert_type3A_553 = tpu.bitcast %and3A_552 : vector<256x1xi32> -> vector<256x1xf32>
    %eq3A_554 = arith.constant 14 : i32
    %eq3A_555 = vector.broadcast %eq3A_554 : i32 to vector<256x16xi32>
    %eq3A_556 = arith.cmpi eq, %iota3A_35, %eq3A_555 : vector<256x16xi32>
    %and3A_557 = arith.constant 4095 : i32
    %and3A_558 = vector.broadcast %and3A_557 : i32 to vector<256x1xi32>
    %and3A_559 = arith.andi %broadcast_in_dim3A_547, %and3A_558 : vector<256x1xi32>
    %mul3A_560 = arith.constant 4096 : i32
    %mul3A_561 = arith.muli %select_n3A, %mul3A_560 : i32
    %add3A_562 = vector.broadcast %mul3A_561 : i32 to vector<256x1xi32>
    %add3A_563 = arith.addi %and3A_559, %add3A_562 : vector<256x1xi32>
    %broadcast_in_dim3A_564 = vector.shape_cast %add3A_563 : vector<256x1xi32> to vector<256x1xi32>
    %broadcast_in_dim3A_565 = vector.broadcast %broadcast_in_dim3A_564 : vector<256x1xi32> to vector<256x16xi32>
    %select_n3A_566 = arith.select %eq3A_556, %broadcast_in_dim3A_565, %select_n3A_530 : vector<256x16xi1>, vector<256x16xi32>
    %eq3A_567 = arith.constant 14 : i32
    %eq3A_568 = vector.broadcast %eq3A_567 : i32 to vector<256x16xi32>
    %eq3A_569 = arith.cmpi eq, %iota3A_35, %eq3A_568 : vector<256x16xi32>
    %max3A_570 = arith.constant 0.000000e+00 : f32
    %max3A_571 = vector.broadcast %max3A_570 : f32 to vector<256x1xf32>
    %max3A_572 = arith.maximumf %bitcast_convert_type3A_553, %max3A_571 : vector<256x1xf32>
    %broadcast_in_dim3A_573 = vector.shape_cast %max3A_572 : vector<256x1xf32> to vector<256x1xf32>
    %broadcast_in_dim3A_574 = vector.broadcast %broadcast_in_dim3A_573 : vector<256x1xf32> to vector<256x16xf32>
    %select_n3A_575 = arith.select %eq3A_569, %broadcast_in_dim3A_574, %select_n3A_539 : vector<256x16xi1>, vector<256x16xf32>
    %eq3A_576 = vector.broadcast %broadcast_in_dim3A_547 : vector<256x1xi32> to vector<256x4096xi32>
    %eq3A_577 = arith.cmpi eq, %select_n3A_544, %eq3A_576 : vector<256x4096xi32>
    %jit3A_578 = arith.constant 2147483647 : i32
    %broadcast_in_dim3A_579 = vector.broadcast %jit3A_578 : i32 to vector<256x4096xi32>
    %select_n3A_580 = arith.select %eq3A_577, %broadcast_in_dim3A_579, %select_n3A_544 : vector<256x4096xi1>, vector<256x4096xi32>
    %reduce_min3A_581 = arith.constant dense<2147483647> : vector<256xi32>
    %reduce_min3A_582 = vector.multi_reduction <minsi>, %select_n3A_580, %reduce_min3A_581 [1] : vector<256x4096xi32> to vector<256xi32>
    %broadcast_in_dim3A_583 = vector.shape_cast %reduce_min3A_582 : vector<256xi32> to vector<256x1xi32>
    %not3A_584 = arith.constant 4095 : i32
    %not3A_585 = arith.constant -1 : i32
    %not3A_586 = arith.xori %not3A_584, %not3A_585 : i32
    %and3A_587 = vector.broadcast %not3A_586 : i32 to vector<256x1xi32>
    %and3A_588 = arith.andi %broadcast_in_dim3A_583, %and3A_587 : vector<256x1xi32>
    %bitcast_convert_type3A_589 = tpu.bitcast %and3A_588 : vector<256x1xi32> -> vector<256x1xf32>
    %eq3A_590 = arith.constant 15 : i32
    %eq3A_591 = vector.broadcast %eq3A_590 : i32 to vector<256x16xi32>
    %eq3A_592 = arith.cmpi eq, %iota3A_35, %eq3A_591 : vector<256x16xi32>
    %and3A_593 = arith.constant 4095 : i32
    %and3A_594 = vector.broadcast %and3A_593 : i32 to vector<256x1xi32>
    %and3A_595 = arith.andi %broadcast_in_dim3A_583, %and3A_594 : vector<256x1xi32>
    %mul3A_596 = arith.constant 4096 : i32
    %mul3A_597 = arith.muli %select_n3A, %mul3A_596 : i32
    %add3A_598 = vector.broadcast %mul3A_597 : i32 to vector<256x1xi32>
    %add3A_599 = arith.addi %and3A_595, %add3A_598 : vector<256x1xi32>
    %broadcast_in_dim3A_600 = vector.shape_cast %add3A_599 : vector<256x1xi32> to vector<256x1xi32>
    %broadcast_in_dim3A_601 = vector.broadcast %broadcast_in_dim3A_600 : vector<256x1xi32> to vector<256x16xi32>
    %select_n3A_602 = arith.select %eq3A_592, %broadcast_in_dim3A_601, %select_n3A_566 : vector<256x16xi1>, vector<256x16xi32>
    %eq3A_603 = arith.constant 15 : i32
    %eq3A_604 = vector.broadcast %eq3A_603 : i32 to vector<256x16xi32>
    %eq3A_605 = arith.cmpi eq, %iota3A_35, %eq3A_604 : vector<256x16xi32>
    %max3A_606 = arith.constant 0.000000e+00 : f32
    %max3A_607 = vector.broadcast %max3A_606 : f32 to vector<256x1xf32>
    %max3A_608 = arith.maximumf %bitcast_convert_type3A_589, %max3A_607 : vector<256x1xf32>
    %broadcast_in_dim3A_609 = vector.shape_cast %max3A_608 : vector<256x1xf32> to vector<256x1xf32>
    %broadcast_in_dim3A_610 = vector.broadcast %broadcast_in_dim3A_609 : vector<256x1xf32> to vector<256x16xf32>
    %select_n3A_611 = arith.select %eq3A_605, %broadcast_in_dim3A_610, %select_n3A_575 : vector<256x16xi1>, vector<256x16xf32>
    %swap3A = arith.constant 0 : index
    %swap3A_612 = arith.constant 0 : index
    %swap3A_613 = vector.load %arg3[%swap3A, %swap3A_612] : memref<256x16xi32, #tpu.memory_space<vmem>>, vector<256x16xi32>
    tpu.vector_store %arg3[%swap3A, %swap3A_612], %select_n3A_602 {strides = array<i32>} : memref<256x16xi32, #tpu.memory_space<vmem>>, vector<256x16xi32>,
    %swap3A_614 = arith.constant 0 : index
    %swap3A_615 = arith.constant 0 : index
    %swap3A_616 = vector.load %arg4[%swap3A_614, %swap3A_615] : memref<256x16xf32, #tpu.memory_space<vmem>>, vector<256x16xf32>
    tpu.vector_store %arg4[%swap3A_614, %swap3A_615], %select_n3A_611 {strides = array<i32>} : memref<256x16xf32, #tpu.memory_space<vmem>>, vector<256x16xf32>,
    return
  }
  func.func @transform_0(%arg0: i32) -> (i32, i32) {
    %c0_i32 = arith.constant 0 : i32
    %c0_i32_0 = arith.constant 0 : i32
    return %arg0, %c0_i32 : i32, i32
  }
  func.func @transform_1(%arg0: i32) -> (i32, i32, i32) {
    %jit3A = arith.constant 16 : i32
    %div3A = arith.divsi %arg0, %jit3A : i32
    %sign3A = arith.constant 0 : i32
    %sign3A_0 = arith.cmpi sgt, %arg0, %sign3A : i32
    %sign3A_1 = arith.extui %sign3A_0 : i1 to i32
    %sign3A_2 = arith.constant 0 : i32
    %sign3A_3 = arith.cmpi slt, %arg0, %sign3A_2 : i32
    %sign3A_4 = arith.extui %sign3A_3 : i1 to i32
    %sign3A_5 = arith.subi %sign3A_1, %sign3A_4 : i32
    %sign3A_6 = arith.constant 0 : i32
    %sign3A_7 = arith.cmpi sgt, %jit3A, %sign3A_6 : i32
    %sign3A_8 = arith.extui %sign3A_7 : i1 to i32
    %sign3A_9 = arith.constant 0 : i32
    %sign3A_10 = arith.cmpi slt, %jit3A, %sign3A_9 : i32
    %sign3A_11 = arith.extui %sign3A_10 : i1 to i32
    %sign3A_12 = arith.subi %sign3A_8, %sign3A_11 : i32
    %ne3A = arith.cmpi ne, %sign3A_5, %sign3A_12 : i32
    %rem3A = arith.remsi %arg0, %jit3A : i32
    %ne3A_13 = arith.constant 0 : i32
    %ne3A_14 = arith.cmpi ne, %rem3A, %ne3A_13 : i32
    %and3A = arith.andi %ne3A, %ne3A_14 : i1
    %sub3A = arith.constant 1 : i32
    %sub3A_15 = arith.subi %div3A, %sub3A : i32
    %select_n3A = arith.select %and3A, %sub3A_15, %div3A : i32
    %c0_i32 = arith.constant 0 : i32
    %c0_i32_16 = arith.constant 0 : i32
    %c0_i32_17 = arith.constant 0 : i32
    return %select_n3A, %c0_i32, %c0_i32_16 : i32, i32, i32
  }
  func.func @transform_2(%arg0: i32) -> (i32, i32) {
    %c0_i32 = arith.constant 0 : i32
    %c0_i32_0 = arith.constant 0 : i32
    return %arg0, %c0_i32 : i32, i32
  }
  func.func @transform_3(%arg0: i32) -> (i32, i32) {
    %c0_i32 = arith.constant 0 : i32
    %c0_i32_0 = arith.constant 0 : i32
    return %arg0, %c0_i32 : i32, i32
  }
}

module attributes {stable_mosaic.version = 14 : i64} {
  func.func @_fpath_body(%arg0: i32, %arg1: memref<256x32xf32, #tpu.memory_space<vmem>>, %arg2: memref<32x32xf32, #tpu.memory_space<vmem>>, %arg3: memref<1x32xf32, #tpu.memory_space<vmem>>, %arg4: memref<32x128xf32, #tpu.memory_space<vmem>>, %arg5: memref<1x128xf32, #tpu.memory_space<vmem>>, %arg6: memref<256x32xf32, #tpu.memory_space<vmem>>, %arg7: memref<256x128xf32, #tpu.memory_space<vmem>>, %arg8: memref<2x128xf32, #tpu.memory_space<vmem>>, %arg9: memref<2x128xf32, #tpu.memory_space<vmem>>) attributes {dimension_semantics = [#tpu.dimension_semantics<arbitrary>], iteration_bounds = array<i64: 32>, scalar_prefetch = 0 : i64, scratch_operands = 1 : i64, tpu.core_type = #tpu.core_type<tc>, window_params = [{transform_indices = @transform_0, window_bounds = array<i64: 256, 32>}, {pipeline_mode = #tpu.pipeline_mode<synchronous>, transform_indices = @transform_1, window_bounds = array<i64: 32, 32>}, {pipeline_mode = #tpu.pipeline_mode<synchronous>, transform_indices = @transform_2, window_bounds = array<i64: 1, 32>}, {pipeline_mode = #tpu.pipeline_mode<synchronous>, transform_indices = @transform_3, window_bounds = array<i64: 32, 128>}, {pipeline_mode = #tpu.pipeline_mode<synchronous>, transform_indices = @transform_4, window_bounds = array<i64: 1, 128>}, {transform_indices = @transform_5, window_bounds = array<i64: 256, 32>}, {transform_indices = @transform_6, window_bounds = array<i64: 256, 128>}, {pipeline_mode = #tpu.pipeline_mode<synchronous>, transform_indices = @transform_7, window_bounds = array<i64: 2, 128>}]} {
    %get3A = arith.constant 0 : index
    %get3A_0 = arith.constant 0 : index
    %get3A_1 = vector.load %arg1[%get3A, %get3A_0] : memref<256x32xf32, #tpu.memory_space<vmem>>, vector<256x32xf32>
    %get3A_2 = arith.constant 0 : index
    %get3A_3 = arith.constant 0 : index
    %get3A_4 = vector.load %arg2[%get3A_2, %get3A_3] : memref<32x32xf32, #tpu.memory_space<vmem>>, vector<32x32xf32>
    %dot_general3A = arith.constant dense<0.000000e+00> : vector<256x32xf32>
    %dot_general3A_5 = tpu.matmul %get3A_1, %get3A_4, %dot_general3A {dimension_numbers = #tpu.dot_dimension_numbers<[1], [0], [0], [1], [0, 0, 1, 1], [], []>, transpose_lhs_hint = false} : vector<256x32xf32>, vector<32x32xf32>, vector<256x32xf32> -> vector<256x32xf32>
    %get3A_6 = arith.constant 0 : index
    %get3A_7 = arith.constant 0 : index
    %get3A_8 = vector.load %arg3[%get3A_6, %get3A_7] : memref<1x32xf32, #tpu.memory_space<vmem>>, vector<1x32xf32>
    %add3A = vector.broadcast %get3A_8 : vector<1x32xf32> to vector<256x32xf32>
    %add3A_9 = arith.addf %dot_general3A_5, %add3A : vector<256x32xf32>
    %ge3A = arith.constant 0.000000e+00 : f32
    %ge3A_10 = vector.broadcast %ge3A : f32 to vector<256x32xf32>
    %ge3A_11 = arith.cmpf oge, %add3A_9, %ge3A_10 : vector<256x32xf32>
    %mul3A = arith.constant 2.000000e-01 : f32
    %mul3A_12 = vector.broadcast %mul3A : f32 to vector<256x32xf32>
    %mul3A_13 = arith.mulf %mul3A_12, %add3A_9 : vector<256x32xf32>
    %select_n3A = arith.select %ge3A_11, %add3A_9, %mul3A_13 : vector<256x32xi1>, vector<256x32xf32>
    %swap3A = arith.constant 0 : index
    %swap3A_14 = arith.constant 0 : index
    %swap3A_15 = vector.load %arg6[%swap3A, %swap3A_14] : memref<256x32xf32, #tpu.memory_space<vmem>>, vector<256x32xf32>
    tpu.vector_store %arg6[%swap3A, %swap3A_14], %select_n3A {strides = array<i32>} : memref<256x32xf32, #tpu.memory_space<vmem>>, vector<256x32xf32>,
    %get3A_16 = arith.constant 0 : index
    %get3A_17 = arith.constant 0 : index
    %get3A_18 = vector.load %arg4[%get3A_16, %get3A_17] : memref<32x128xf32, #tpu.memory_space<vmem>>, vector<32x128xf32>
    %dot_general3A_19 = arith.constant dense<0.000000e+00> : vector<256x128xf32>
    %dot_general3A_20 = tpu.matmul %get3A_1, %get3A_18, %dot_general3A_19 {dimension_numbers = #tpu.dot_dimension_numbers<[1], [0], [0], [1], [0, 0, 1, 1], [], []>, transpose_lhs_hint = false} : vector<256x32xf32>, vector<32x128xf32>, vector<256x128xf32> -> vector<256x128xf32>
    %get3A_21 = arith.constant 0 : index
    %get3A_22 = arith.constant 0 : index
    %get3A_23 = vector.load %arg5[%get3A_21, %get3A_22] : memref<1x128xf32, #tpu.memory_space<vmem>>, vector<1x128xf32>
    %add3A_24 = vector.broadcast %get3A_23 : vector<1x128xf32> to vector<256x128xf32>
    %add3A_25 = arith.addf %dot_general3A_20, %add3A_24 : vector<256x128xf32>
    %swap3A_26 = arith.constant 0 : index
    %swap3A_27 = arith.constant 0 : index
    %swap3A_28 = vector.load %arg7[%swap3A_26, %swap3A_27] : memref<256x128xf32, #tpu.memory_space<vmem>>, vector<256x128xf32>
    tpu.vector_store %arg7[%swap3A_26, %swap3A_27], %add3A_25 {strides = array<i32>} : memref<256x128xf32, #tpu.memory_space<vmem>>, vector<256x128xf32>,
    %eq3A = arith.constant 0 : i32
    %eq3A_29 = arith.cmpi eq, %arg0, %eq3A : i32
    %convert_element_type3A = arith.extui %eq3A_29 : i1 to i32
    %cond3A = arith.constant 0 : i32
    %cond3A_30 = arith.cmpi ne, %convert_element_type3A, %cond3A : i32
    scf.if %cond3A_30 {
      %broadcast_in_dim3A_48 = arith.constant 0.000000e+00 : f32
      %broadcast_in_dim3A_49 = vector.broadcast %broadcast_in_dim3A_48 : f32 to vector<2x128xf32>
      %swap3A_50 = arith.constant 0 : index
      %swap3A_51 = arith.constant 0 : index
      %swap3A_52 = vector.load %arg9[%swap3A_50, %swap3A_51] : memref<2x128xf32, #tpu.memory_space<vmem>>, vector<2x128xf32>
      tpu.vector_store %arg9[%swap3A_50, %swap3A_51], %broadcast_in_dim3A_49 {strides = array<i32>} : memref<2x128xf32, #tpu.memory_space<vmem>>, vector<2x128xf32>,
    } else {
    }
    %reduce_sum3A = arith.constant dense<0.000000e+00> : vector<128xf32>
    %reduce_sum3A_31 = vector.multi_reduction <add>, %add3A_25, %reduce_sum3A [0] : vector<256x128xf32> to vector<128xf32>
    %broadcast_in_dim3A = vector.shape_cast %reduce_sum3A_31 : vector<128xf32> to vector<1x128xf32>
    %mul3A_32 = arith.mulf %add3A_25, %add3A_25 : vector<256x128xf32>
    %reduce_sum3A_33 = arith.constant dense<0.000000e+00> : vector<128xf32>
    %reduce_sum3A_34 = vector.multi_reduction <add>, %mul3A_32, %reduce_sum3A_33 [0] : vector<256x128xf32> to vector<128xf32>
    %broadcast_in_dim3A_35 = vector.shape_cast %reduce_sum3A_34 : vector<128xf32> to vector<1x128xf32>
    %get3A_36 = arith.constant 0 : index
    %get3A_37 = arith.constant 0 : index
    %get3A_38 = vector.load %arg9[%get3A_36, %get3A_37] : memref<2x128xf32, #tpu.memory_space<vmem>>, vector<2x128xf32>
    %concatenate3A = tpu.concatenate %broadcast_in_dim3A, %broadcast_in_dim3A_35 in 0 : vector<1x128xf32>, vector<1x128xf32> -> vector<2x128xf32>
    %add3A_39 = arith.addf %get3A_38, %concatenate3A : vector<2x128xf32>
    %swap3A_40 = arith.constant 0 : index
    %swap3A_41 = arith.constant 0 : index
    %swap3A_42 = vector.load %arg9[%swap3A_40, %swap3A_41] : memref<2x128xf32, #tpu.memory_space<vmem>>, vector<2x128xf32>
    tpu.vector_store %arg9[%swap3A_40, %swap3A_41], %add3A_39 {strides = array<i32>} : memref<2x128xf32, #tpu.memory_space<vmem>>, vector<2x128xf32>,
    %eq3A_43 = arith.constant 31 : i32
    %eq3A_44 = arith.cmpi eq, %arg0, %eq3A_43 : i32
    %convert_element_type3A_45 = arith.extui %eq3A_44 : i1 to i32
    %cond3A_46 = arith.constant 0 : i32
    %cond3A_47 = arith.cmpi ne, %convert_element_type3A_45, %cond3A_46 : i32
    scf.if %cond3A_47 {
      %get3A_48 = arith.constant 0 : index
      %get3A_49 = arith.constant 0 : index
      %get3A_50 = vector.load %arg9[%get3A_48, %get3A_49] : memref<2x128xf32, #tpu.memory_space<vmem>>, vector<2x128xf32>
      %swap3A_51 = arith.constant 0 : index
      %swap3A_52 = arith.constant 0 : index
      %swap3A_53 = vector.load %arg8[%swap3A_51, %swap3A_52] : memref<2x128xf32, #tpu.memory_space<vmem>>, vector<2x128xf32>
      tpu.vector_store %arg8[%swap3A_51, %swap3A_52], %get3A_50 {strides = array<i32>} : memref<2x128xf32, #tpu.memory_space<vmem>>, vector<2x128xf32>,
    } else {
    }
    return
  }
  func.func @transform_0(%arg0: i32) -> (i32, i32) {
    %c0_i32 = arith.constant 0 : i32
    %c0_i32_0 = arith.constant 0 : i32
    return %arg0, %c0_i32 : i32, i32
  }
  func.func @transform_1(%arg0: i32) -> (i32, i32) {
    %c0_i32 = arith.constant 0 : i32
    %c0_i32_0 = arith.constant 0 : i32
    %c0_i32_1 = arith.constant 0 : i32
    return %c0_i32, %c0_i32_0 : i32, i32
  }
  func.func @transform_2(%arg0: i32) -> (i32, i32) {
    %c0_i32 = arith.constant 0 : i32
    %c0_i32_0 = arith.constant 0 : i32
    %c0_i32_1 = arith.constant 0 : i32
    return %c0_i32, %c0_i32_0 : i32, i32
  }
  func.func @transform_3(%arg0: i32) -> (i32, i32) {
    %c0_i32 = arith.constant 0 : i32
    %c0_i32_0 = arith.constant 0 : i32
    %c0_i32_1 = arith.constant 0 : i32
    return %c0_i32, %c0_i32_0 : i32, i32
  }
  func.func @transform_4(%arg0: i32) -> (i32, i32) {
    %c0_i32 = arith.constant 0 : i32
    %c0_i32_0 = arith.constant 0 : i32
    %c0_i32_1 = arith.constant 0 : i32
    return %c0_i32, %c0_i32_0 : i32, i32
  }
  func.func @transform_5(%arg0: i32) -> (i32, i32) {
    %c0_i32 = arith.constant 0 : i32
    %c0_i32_0 = arith.constant 0 : i32
    return %arg0, %c0_i32 : i32, i32
  }
  func.func @transform_6(%arg0: i32) -> (i32, i32) {
    %c0_i32 = arith.constant 0 : i32
    %c0_i32_0 = arith.constant 0 : i32
    return %arg0, %c0_i32 : i32, i32
  }
  func.func @transform_7(%arg0: i32) -> (i32, i32) {
    %c0_i32 = arith.constant 0 : i32
    %c0_i32_0 = arith.constant 0 : i32
    %c0_i32_1 = arith.constant 0 : i32
    return %c0_i32, %c0_i32_0 : i32, i32
  }
}

module attributes {stable_mosaic.version = 14 : i64} {
  func.func @_encstats_body(%arg0: i32, %arg1: memref<256x3xf32, #tpu.memory_space<vmem>>, %arg2: memref<4096x128xf32, #tpu.memory_space<vmem>>, %arg3: memref<256x16xf32, #tpu.memory_space<vmem>>, %arg4: memref<3x32xf32, #tpu.memory_space<vmem>>, %arg5: memref<3x32xf32, #tpu.memory_space<vmem>>, %arg6: memref<1x32xf32, #tpu.memory_space<vmem>>, %arg7: memref<1x32xf32, #tpu.memory_space<vmem>>, %arg8: memref<3x32xf32, #tpu.memory_space<vmem>>, %arg9: memref<3x32xf32, #tpu.memory_space<vmem>>, %arg10: memref<1x32xf32, #tpu.memory_space<vmem>>, %arg11: memref<1x32xf32, #tpu.memory_space<vmem>>, %arg12: memref<2x32xf32, #tpu.memory_space<vmem>>, %arg13: memref<2x32xf32, #tpu.memory_space<vmem>>, %arg14: memref<2x32xf32, #tpu.memory_space<vmem>>, %arg15: memref<2x32xf32, #tpu.memory_space<vmem>>) attributes {dimension_semantics = [#tpu.dimension_semantics<arbitrary>], iteration_bounds = array<i64: 32>, scalar_prefetch = 0 : i64, scratch_operands = 2 : i64, tpu.core_type = #tpu.core_type<tc>, window_params = [{transform_indices = @transform_0, window_bounds = array<i64: 256, 3>}, {transform_indices = @transform_1, window_bounds = array<i64: 4096, 128>}, {transform_indices = @transform_2, window_bounds = array<i64: 256, 16>}, {pipeline_mode = #tpu.pipeline_mode<synchronous>, transform_indices = @transform_3, window_bounds = array<i64: 3, 32>}, {pipeline_mode = #tpu.pipeline_mode<synchronous>, transform_indices = @transform_4, window_bounds = array<i64: 3, 32>}, {pipeline_mode = #tpu.pipeline_mode<synchronous>, transform_indices = @transform_5, window_bounds = array<i64: 1, 32>}, {pipeline_mode = #tpu.pipeline_mode<synchronous>, transform_indices = @transform_6, window_bounds = array<i64: 1, 32>}, {pipeline_mode = #tpu.pipeline_mode<synchronous>, transform_indices = @transform_7, window_bounds = array<i64: 3, 32>}, {pipeline_mode = #tpu.pipeline_mode<synchronous>, transform_indices = @transform_8, window_bounds = array<i64: 3, 32>}, {pipeline_mode = #tpu.pipeline_mode<synchronous>, transform_indices = @transform_9, window_bounds = array<i64: 1, 32>}, {pipeline_mode = #tpu.pipeline_mode<synchronous>, transform_indices = @transform_10, window_bounds = array<i64: 1, 32>}, {pipeline_mode = #tpu.pipeline_mode<synchronous>, transform_indices = @transform_11, window_bounds = array<i64: 2, 32>}, {pipeline_mode = #tpu.pipeline_mode<synchronous>, transform_indices = @transform_12, window_bounds = array<i64: 2, 32>}]} {
    %get3A = arith.constant 0 : index
    %get3A_0 = arith.constant 0 : index
    %get3A_1 = vector.load %arg1[%get3A, %get3A_0] : memref<256x3xf32, #tpu.memory_space<vmem>>, vector<256x3xf32>
    %get3A_2 = arith.constant 0 : index
    %get3A_3 = arith.constant 0 : index
    %get3A_4 = vector.load %arg2[%get3A_2, %get3A_3] : memref<4096x128xf32, #tpu.memory_space<vmem>>, vector<4096x128xf32>
    %get3A_5 = arith.constant 0 : index
    %get3A_6 = arith.constant 0 : index
    %get3A_7 = vector.load %arg3[%get3A_5, %get3A_6] : memref<256x16xf32, #tpu.memory_space<vmem>>, vector<256x16xf32>
    %eq3A = arith.constant 0 : i32
    %eq3A_8 = arith.cmpi eq, %arg0, %eq3A : i32
    %convert_element_type3A = arith.extui %eq3A_8 : i1 to i32
    %cond3A = arith.constant 0 : i32
    %cond3A_9 = arith.cmpi ne, %convert_element_type3A, %cond3A : i32
    scf.if %cond3A_9 {
      %broadcast_in_dim3A_98 = arith.constant 0.000000e+00 : f32
      %broadcast_in_dim3A_99 = vector.broadcast %broadcast_in_dim3A_98 : f32 to vector<2x32xf32>
      %swap3A_100 = arith.constant 0 : index
      %swap3A_101 = arith.constant 0 : index
      %swap3A_102 = vector.load %arg14[%swap3A_100, %swap3A_101] : memref<2x32xf32, #tpu.memory_space<vmem>>, vector<2x32xf32>
      tpu.vector_store %arg14[%swap3A_100, %swap3A_101], %broadcast_in_dim3A_99 {strides = array<i32>} : memref<2x32xf32, #tpu.memory_space<vmem>>, vector<2x32xf32>,
      %broadcast_in_dim3A_103 = arith.constant 0.000000e+00 : f32
      %broadcast_in_dim3A_104 = vector.broadcast %broadcast_in_dim3A_103 : f32 to vector<2x32xf32>
      %swap3A_105 = arith.constant 0 : index
      %swap3A_106 = arith.constant 0 : index
      %swap3A_107 = vector.load %arg15[%swap3A_105, %swap3A_106] : memref<2x32xf32, #tpu.memory_space<vmem>>, vector<2x32xf32>
      tpu.vector_store %arg15[%swap3A_105, %swap3A_106], %broadcast_in_dim3A_104 {strides = array<i32>} : memref<2x32xf32, #tpu.memory_space<vmem>>, vector<2x32xf32>,
    } else {
    }
    %get3A_10 = arith.constant 0 : index
    %get3A_11 = arith.constant 0 : index
    %get3A_12 = vector.load %arg4[%get3A_10, %get3A_11] : memref<3x32xf32, #tpu.memory_space<vmem>>, vector<3x32xf32>
    %get3A_13 = arith.constant 0 : index
    %get3A_14 = arith.constant 0 : index
    %get3A_15 = vector.load %arg5[%get3A_13, %get3A_14] : memref<3x32xf32, #tpu.memory_space<vmem>>, vector<3x32xf32>
    %get3A_16 = arith.constant 0 : index
    %get3A_17 = arith.constant 0 : index
    %get3A_18 = vector.load %arg6[%get3A_16, %get3A_17] : memref<1x32xf32, #tpu.memory_space<vmem>>, vector<1x32xf32>
    %get3A_19 = arith.constant 0 : index
    %get3A_20 = arith.constant 0 : index
    %get3A_21 = vector.load %arg7[%get3A_19, %get3A_20] : memref<1x32xf32, #tpu.memory_space<vmem>>, vector<1x32xf32>
    %dot_general3A = arith.constant dense<0.000000e+00> : vector<256x32xf32>
    %dot_general3A_22 = tpu.matmul %get3A_1, %get3A_12, %dot_general3A {dimension_numbers = #tpu.dot_dimension_numbers<[1], [0], [0], [1], [0, 0, 1, 1], [], []>, transpose_lhs_hint = false} : vector<256x3xf32>, vector<3x32xf32>, vector<256x32xf32> -> vector<256x32xf32>
    %slice3A = vector.extract_strided_slice %get3A_4 {offsets = [0, 0], sizes = [4096, 3], strides = [1, 1]} : vector<4096x128xf32> to vector<4096x3xf32>
    %dot_general3A_23 = arith.constant dense<0.000000e+00> : vector<4096x32xf32>
    %dot_general3A_24 = tpu.matmul %slice3A, %get3A_15, %dot_general3A_23 {dimension_numbers = #tpu.dot_dimension_numbers<[1], [0], [0], [1], [0, 0, 1, 1], [], []>, transpose_lhs_hint = false} : vector<4096x3xf32>, vector<3x32xf32>, vector<4096x32xf32> -> vector<4096x32xf32>
    %broadcast_in_dim3A = vector.shape_cast %dot_general3A_22 : vector<256x32xf32> to vector<256x1x32xf32>
    %reshape3A = vector.shape_cast %dot_general3A_24 : vector<4096x32xf32> to vector<256x16x32xf32>
    %add3A = vector.broadcast %broadcast_in_dim3A : vector<256x1x32xf32> to vector<256x16x32xf32>
    %add3A_25 = arith.addf %add3A, %reshape3A : vector<256x16x32xf32>
    %broadcast_in_dim3A_26 = vector.shape_cast %get3A_7 : vector<256x16xf32> to vector<256x16x1xf32>
    %reshape3A_27 = vector.shape_cast %get3A_18 : vector<1x32xf32> to vector<1x1x32xf32>
    %mul3A = vector.broadcast %broadcast_in_dim3A_26 : vector<256x16x1xf32> to vector<256x16x32xf32>
    %mul3A_28 = vector.broadcast %reshape3A_27 : vector<1x1x32xf32> to vector<256x16x32xf32>
    %mul3A_29 = arith.mulf %mul3A, %mul3A_28 : vector<256x16x32xf32>
    %add3A_30 = arith.addf %add3A_25, %mul3A_29 : vector<256x16x32xf32>
    %reshape3A_31 = vector.shape_cast %get3A_21 : vector<1x32xf32> to vector<1x1x32xf32>
    %add3A_32 = vector.broadcast %reshape3A_31 : vector<1x1x32xf32> to vector<256x16x32xf32>
    %add3A_33 = arith.addf %add3A_30, %add3A_32 : vector<256x16x32xf32>
    %reshape3A_34 = vector.shape_cast %add3A_33 : vector<256x16x32xf32> to vector<4096x32xf32>
    %reduce_sum3A = arith.constant dense<0.000000e+00> : vector<32xf32>
    %reduce_sum3A_35 = vector.multi_reduction <add>, %reshape3A_34, %reduce_sum3A [0] : vector<4096x32xf32> to vector<32xf32>
    %broadcast_in_dim3A_36 = vector.shape_cast %reduce_sum3A_35 : vector<32xf32> to vector<1x32xf32>
    %mul3A_37 = arith.mulf %reshape3A_34, %reshape3A_34 : vector<4096x32xf32>
    %reduce_sum3A_38 = arith.constant dense<0.000000e+00> : vector<32xf32>
    %reduce_sum3A_39 = vector.multi_reduction <add>, %mul3A_37, %reduce_sum3A_38 [0] : vector<4096x32xf32> to vector<32xf32>
    %broadcast_in_dim3A_40 = vector.shape_cast %reduce_sum3A_39 : vector<32xf32> to vector<1x32xf32>
    %get3A_41 = arith.constant 0 : index
    %get3A_42 = arith.constant 0 : index
    %get3A_43 = vector.load %arg14[%get3A_41, %get3A_42] : memref<2x32xf32, #tpu.memory_space<vmem>>, vector<2x32xf32>
    %concatenate3A = tpu.concatenate %broadcast_in_dim3A_36, %broadcast_in_dim3A_40 in 0 : vector<1x32xf32>, vector<1x32xf32> -> vector<2x32xf32>
    %add3A_44 = arith.addf %get3A_43, %concatenate3A : vector<2x32xf32>
    %swap3A = arith.constant 0 : index
    %swap3A_45 = arith.constant 0 : index
    %swap3A_46 = vector.load %arg14[%swap3A, %swap3A_45] : memref<2x32xf32, #tpu.memory_space<vmem>>, vector<2x32xf32>
    tpu.vector_store %arg14[%swap3A, %swap3A_45], %add3A_44 {strides = array<i32>} : memref<2x32xf32, #tpu.memory_space<vmem>>, vector<2x32xf32>,
    %get3A_47 = arith.constant 0 : index
    %get3A_48 = arith.constant 0 : index
    %get3A_49 = vector.load %arg8[%get3A_47, %get3A_48] : memref<3x32xf32, #tpu.memory_space<vmem>>, vector<3x32xf32>
    %get3A_50 = arith.constant 0 : index
    %get3A_51 = arith.constant 0 : index
    %get3A_52 = vector.load %arg9[%get3A_50, %get3A_51] : memref<3x32xf32, #tpu.memory_space<vmem>>, vector<3x32xf32>
    %get3A_53 = arith.constant 0 : index
    %get3A_54 = arith.constant 0 : index
    %get3A_55 = vector.load %arg10[%get3A_53, %get3A_54] : memref<1x32xf32, #tpu.memory_space<vmem>>, vector<1x32xf32>
    %get3A_56 = arith.constant 0 : index
    %get3A_57 = arith.constant 0 : index
    %get3A_58 = vector.load %arg11[%get3A_56, %get3A_57] : memref<1x32xf32, #tpu.memory_space<vmem>>, vector<1x32xf32>
    %dot_general3A_59 = arith.constant dense<0.000000e+00> : vector<256x32xf32>
    %dot_general3A_60 = tpu.matmul %get3A_1, %get3A_49, %dot_general3A_59 {dimension_numbers = #tpu.dot_dimension_numbers<[1], [0], [0], [1], [0, 0, 1, 1], [], []>, transpose_lhs_hint = false} : vector<256x3xf32>, vector<3x32xf32>, vector<256x32xf32> -> vector<256x32xf32>
    %slice3A_61 = vector.extract_strided_slice %get3A_4 {offsets = [0, 0], sizes = [4096, 3], strides = [1, 1]} : vector<4096x128xf32> to vector<4096x3xf32>
    %dot_general3A_62 = arith.constant dense<0.000000e+00> : vector<4096x32xf32>
    %dot_general3A_63 = tpu.matmul %slice3A_61, %get3A_52, %dot_general3A_62 {dimension_numbers = #tpu.dot_dimension_numbers<[1], [0], [0], [1], [0, 0, 1, 1], [], []>, transpose_lhs_hint = false} : vector<4096x3xf32>, vector<3x32xf32>, vector<4096x32xf32> -> vector<4096x32xf32>
    %broadcast_in_dim3A_64 = vector.shape_cast %dot_general3A_60 : vector<256x32xf32> to vector<256x1x32xf32>
    %reshape3A_65 = vector.shape_cast %dot_general3A_63 : vector<4096x32xf32> to vector<256x16x32xf32>
    %add3A_66 = vector.broadcast %broadcast_in_dim3A_64 : vector<256x1x32xf32> to vector<256x16x32xf32>
    %add3A_67 = arith.addf %add3A_66, %reshape3A_65 : vector<256x16x32xf32>
    %broadcast_in_dim3A_68 = vector.shape_cast %get3A_7 : vector<256x16xf32> to vector<256x16x1xf32>
    %reshape3A_69 = vector.shape_cast %get3A_55 : vector<1x32xf32> to vector<1x1x32xf32>
    %mul3A_70 = vector.broadcast %broadcast_in_dim3A_68 : vector<256x16x1xf32> to vector<256x16x32xf32>
    %mul3A_71 = vector.broadcast %reshape3A_69 : vector<1x1x32xf32> to vector<256x16x32xf32>
    %mul3A_72 = arith.mulf %mul3A_70, %mul3A_71 : vector<256x16x32xf32>
    %add3A_73 = arith.addf %add3A_67, %mul3A_72 : vector<256x16x32xf32>
    %reshape3A_74 = vector.shape_cast %get3A_58 : vector<1x32xf32> to vector<1x1x32xf32>
    %add3A_75 = vector.broadcast %reshape3A_74 : vector<1x1x32xf32> to vector<256x16x32xf32>
    %add3A_76 = arith.addf %add3A_73, %add3A_75 : vector<256x16x32xf32>
    %reshape3A_77 = vector.shape_cast %add3A_76 : vector<256x16x32xf32> to vector<4096x32xf32>
    %reduce_sum3A_78 = arith.constant dense<0.000000e+00> : vector<32xf32>
    %reduce_sum3A_79 = vector.multi_reduction <add>, %reshape3A_77, %reduce_sum3A_78 [0] : vector<4096x32xf32> to vector<32xf32>
    %broadcast_in_dim3A_80 = vector.shape_cast %reduce_sum3A_79 : vector<32xf32> to vector<1x32xf32>
    %mul3A_81 = arith.mulf %reshape3A_77, %reshape3A_77 : vector<4096x32xf32>
    %reduce_sum3A_82 = arith.constant dense<0.000000e+00> : vector<32xf32>
    %reduce_sum3A_83 = vector.multi_reduction <add>, %mul3A_81, %reduce_sum3A_82 [0] : vector<4096x32xf32> to vector<32xf32>
    %broadcast_in_dim3A_84 = vector.shape_cast %reduce_sum3A_83 : vector<32xf32> to vector<1x32xf32>
    %get3A_85 = arith.constant 0 : index
    %get3A_86 = arith.constant 0 : index
    %get3A_87 = vector.load %arg15[%get3A_85, %get3A_86] : memref<2x32xf32, #tpu.memory_space<vmem>>, vector<2x32xf32>
    %concatenate3A_88 = tpu.concatenate %broadcast_in_dim3A_80, %broadcast_in_dim3A_84 in 0 : vector<1x32xf32>, vector<1x32xf32> -> vector<2x32xf32>
    %add3A_89 = arith.addf %get3A_87, %concatenate3A_88 : vector<2x32xf32>
    %swap3A_90 = arith.constant 0 : index
    %swap3A_91 = arith.constant 0 : index
    %swap3A_92 = vector.load %arg15[%swap3A_90, %swap3A_91] : memref<2x32xf32, #tpu.memory_space<vmem>>, vector<2x32xf32>
    tpu.vector_store %arg15[%swap3A_90, %swap3A_91], %add3A_89 {strides = array<i32>} : memref<2x32xf32, #tpu.memory_space<vmem>>, vector<2x32xf32>,
    %eq3A_93 = arith.constant 31 : i32
    %eq3A_94 = arith.cmpi eq, %arg0, %eq3A_93 : i32
    %convert_element_type3A_95 = arith.extui %eq3A_94 : i1 to i32
    %cond3A_96 = arith.constant 0 : i32
    %cond3A_97 = arith.cmpi ne, %convert_element_type3A_95, %cond3A_96 : i32
    scf.if %cond3A_97 {
      %get3A_98 = arith.constant 0 : index
      %get3A_99 = arith.constant 0 : index
      %get3A_100 = vector.load %arg14[%get3A_98, %get3A_99] : memref<2x32xf32, #tpu.memory_space<vmem>>, vector<2x32xf32>
      %swap3A_101 = arith.constant 0 : index
      %swap3A_102 = arith.constant 0 : index
      %swap3A_103 = vector.load %arg12[%swap3A_101, %swap3A_102] : memref<2x32xf32, #tpu.memory_space<vmem>>, vector<2x32xf32>
      tpu.vector_store %arg12[%swap3A_101, %swap3A_102], %get3A_100 {strides = array<i32>} : memref<2x32xf32, #tpu.memory_space<vmem>>, vector<2x32xf32>,
      %get3A_104 = arith.constant 0 : index
      %get3A_105 = arith.constant 0 : index
      %get3A_106 = vector.load %arg15[%get3A_104, %get3A_105] : memref<2x32xf32, #tpu.memory_space<vmem>>, vector<2x32xf32>
      %swap3A_107 = arith.constant 0 : index
      %swap3A_108 = arith.constant 0 : index
      %swap3A_109 = vector.load %arg13[%swap3A_107, %swap3A_108] : memref<2x32xf32, #tpu.memory_space<vmem>>, vector<2x32xf32>
      tpu.vector_store %arg13[%swap3A_107, %swap3A_108], %get3A_106 {strides = array<i32>} : memref<2x32xf32, #tpu.memory_space<vmem>>, vector<2x32xf32>,
    } else {
    }
    return
  }
  func.func @transform_0(%arg0: i32) -> (i32, i32) {
    %c0_i32 = arith.constant 0 : i32
    %c0_i32_0 = arith.constant 0 : i32
    return %arg0, %c0_i32 : i32, i32
  }
  func.func @transform_1(%arg0: i32) -> (i32, i32) {
    %c0_i32 = arith.constant 0 : i32
    %c0_i32_0 = arith.constant 0 : i32
    return %arg0, %c0_i32 : i32, i32
  }
  func.func @transform_2(%arg0: i32) -> (i32, i32) {
    %c0_i32 = arith.constant 0 : i32
    %c0_i32_0 = arith.constant 0 : i32
    return %arg0, %c0_i32 : i32, i32
  }
  func.func @transform_3(%arg0: i32) -> (i32, i32) {
    %c0_i32 = arith.constant 0 : i32
    %c0_i32_0 = arith.constant 0 : i32
    %c0_i32_1 = arith.constant 0 : i32
    return %c0_i32, %c0_i32_0 : i32, i32
  }
  func.func @transform_4(%arg0: i32) -> (i32, i32) {
    %c0_i32 = arith.constant 0 : i32
    %c0_i32_0 = arith.constant 0 : i32
    %c0_i32_1 = arith.constant 0 : i32
    return %c0_i32, %c0_i32_0 : i32, i32
  }
  func.func @transform_5(%arg0: i32) -> (i32, i32) {
    %c0_i32 = arith.constant 0 : i32
    %c0_i32_0 = arith.constant 0 : i32
    %c0_i32_1 = arith.constant 0 : i32
    return %c0_i32, %c0_i32_0 : i32, i32
  }
  func.func @transform_6(%arg0: i32) -> (i32, i32) {
    %c0_i32 = arith.constant 0 : i32
    %c0_i32_0 = arith.constant 0 : i32
    %c0_i32_1 = arith.constant 0 : i32
    return %c0_i32, %c0_i32_0 : i32, i32
  }
  func.func @transform_7(%arg0: i32) -> (i32, i32) {
    %c0_i32 = arith.constant 0 : i32
    %c0_i32_0 = arith.constant 0 : i32
    %c0_i32_1 = arith.constant 0 : i32
    return %c0_i32, %c0_i32_0 : i32, i32
  }
  func.func @transform_8(%arg0: i32) -> (i32, i32) {
    %c0_i32 = arith.constant 0 : i32
    %c0_i32_0 = arith.constant 0 : i32
    %c0_i32_1 = arith.constant 0 : i32
    return %c0_i32, %c0_i32_0 : i32, i32
  }
  func.func @transform_9(%arg0: i32) -> (i32, i32) {
    %c0_i32 = arith.constant 0 : i32
    %c0_i32_0 = arith.constant 0 : i32
    %c0_i32_1 = arith.constant 0 : i32
    return %c0_i32, %c0_i32_0 : i32, i32
  }
  func.func @transform_10(%arg0: i32) -> (i32, i32) {
    %c0_i32 = arith.constant 0 : i32
    %c0_i32_0 = arith.constant 0 : i32
    %c0_i32_1 = arith.constant 0 : i32
    return %c0_i32, %c0_i32_0 : i32, i32
  }
  func.func @transform_11(%arg0: i32) -> (i32, i32) {
    %c0_i32 = arith.constant 0 : i32
    %c0_i32_0 = arith.constant 0 : i32
    %c0_i32_1 = arith.constant 0 : i32
    return %c0_i32, %c0_i32_0 : i32, i32
  }
  func.func @transform_12(%arg0: i32) -> (i32, i32) {
    %c0_i32 = arith.constant 0 : i32
    %c0_i32_0 = arith.constant 0 : i32
    %c0_i32_1 = arith.constant 0 : i32
    return %c0_i32, %c0_i32_0 : i32, i32
  }
}

module attributes {stable_mosaic.version = 14 : i64} {
  func.func @_stage1_body(%arg0: i32, %arg1: memref<256x3xf32, #tpu.memory_space<vmem>>, %arg2: memref<4096x128xf32, #tpu.memory_space<vmem>>, %arg3: memref<256x16xf32, #tpu.memory_space<vmem>>, %arg4: memref<256x32xf32, #tpu.memory_space<vmem>>, %arg5: memref<2x32xf32, #tpu.memory_space<vmem>>, %arg6: memref<3x32xf32, #tpu.memory_space<vmem>>, %arg7: memref<3x32xf32, #tpu.memory_space<vmem>>, %arg8: memref<1x32xf32, #tpu.memory_space<vmem>>, %arg9: memref<1x32xf32, #tpu.memory_space<vmem>>, %arg10: memref<1x32xf32, #tpu.memory_space<vmem>>, %arg11: memref<1x32xf32, #tpu.memory_space<vmem>>, %arg12: memref<64x64xf32, #tpu.memory_space<vmem>>, %arg13: memref<64x32xf32, #tpu.memory_space<vmem>>, %arg14: memref<1x32xf32, #tpu.memory_space<vmem>>, %arg15: memref<256x32xf32, #tpu.memory_space<vmem>>, %arg16: memref<2x32xf32, #tpu.memory_space<vmem>>, %arg17: memref<2x32xf32, #tpu.memory_space<vmem>>) attributes {dimension_semantics = [#tpu.dimension_semantics<arbitrary>], iteration_bounds = array<i64: 32>, scalar_prefetch = 0 : i64, scratch_operands = 1 : i64, tpu.core_type = #tpu.core_type<tc>, window_params = [{transform_indices = @transform_0, window_bounds = array<i64: 256, 3>}, {transform_indices = @transform_1, window_bounds = array<i64: 4096, 128>}, {transform_indices = @transform_2, window_bounds = array<i64: 256, 16>}, {transform_indices = @transform_3, window_bounds = array<i64: 256, 32>}, {pipeline_mode = #tpu.pipeline_mode<synchronous>, transform_indices = @transform_4, window_bounds = array<i64: 2, 32>}, {pipeline_mode = #tpu.pipeline_mode<synchronous>, transform_indices = @transform_5, window_bounds = array<i64: 3, 32>}, {pipeline_mode = #tpu.pipeline_mode<synchronous>, transform_indices = @transform_6, window_bounds = array<i64: 3, 32>}, {pipeline_mode = #tpu.pipeline_mode<synchronous>, transform_indices = @transform_7, window_bounds = array<i64: 1, 32>}, {pipeline_mode = #tpu.pipeline_mode<synchronous>, transform_indices = @transform_8, window_bounds = array<i64: 1, 32>}, {pipeline_mode = #tpu.pipeline_mode<synchronous>, transform_indices = @transform_9, window_bounds = array<i64: 1, 32>}, {pipeline_mode = #tpu.pipeline_mode<synchronous>, transform_indices = @transform_10, window_bounds = array<i64: 1, 32>}, {pipeline_mode = #tpu.pipeline_mode<synchronous>, transform_indices = @transform_11, window_bounds = array<i64: 64, 64>}, {pipeline_mode = #tpu.pipeline_mode<synchronous>, transform_indices = @transform_12, window_bounds = array<i64: 64, 32>}, {pipeline_mode = #tpu.pipeline_mode<synchronous>, transform_indices = @transform_13, window_bounds = array<i64: 1, 32>}, {transform_indices = @transform_14, window_bounds = array<i64: 256, 32>}, {pipeline_mode = #tpu.pipeline_mode<synchronous>, transform_indices = @transform_15, window_bounds = array<i64: 2, 32>}]} {
    %get3A = arith.constant 0 : index
    %get3A_0 = arith.constant 0 : index
    %get3A_1 = vector.load %arg5[%get3A, %get3A_0] : memref<2x32xf32, #tpu.memory_space<vmem>>, vector<2x32xf32>
    %get3A_2 = arith.constant 0 : index
    %get3A_3 = arith.constant 0 : index
    %get3A_4 = vector.load %arg10[%get3A_2, %get3A_3] : memref<1x32xf32, #tpu.memory_space<vmem>>, vector<1x32xf32>
    %get3A_5 = arith.constant 0 : index
    %get3A_6 = arith.constant 0 : index
    %get3A_7 = vector.load %arg11[%get3A_5, %get3A_6] : memref<1x32xf32, #tpu.memory_space<vmem>>, vector<1x32xf32>
    %slice3A = vector.extract_strided_slice %get3A_1 {offsets = [0, 0], sizes = [1, 32], strides = [1, 1]} : vector<2x32xf32> to vector<1x32xf32>
    %div3A = arith.constant 1.310720e+05 : f32
    %div3A_8 = vector.broadcast %div3A : f32 to vector<1x32xf32>
    %div3A_9 = arith.divf %slice3A, %div3A_8 : vector<1x32xf32>
    %slice3A_10 = vector.extract_strided_slice %get3A_1 {offsets = [1, 0], sizes = [1, 32], strides = [1, 1]} : vector<2x32xf32> to vector<1x32xf32>
    %div3A_11 = arith.constant 1.310720e+05 : f32
    %div3A_12 = vector.broadcast %div3A_11 : f32 to vector<1x32xf32>
    %div3A_13 = arith.divf %slice3A_10, %div3A_12 : vector<1x32xf32>
    %mul3A = arith.mulf %div3A_9, %div3A_9 : vector<1x32xf32>
    %sub3A = arith.subf %div3A_13, %mul3A : vector<1x32xf32>
    %add3A = arith.constant 9.99999997E-7 : f32
    %add3A_14 = vector.broadcast %add3A : f32 to vector<1x32xf32>
    %add3A_15 = arith.addf %sub3A, %add3A_14 : vector<1x32xf32>
    %sqrt3A = math.sqrt %add3A_15 : vector<1x32xf32>
    %div3A_16 = arith.divf %get3A_4, %sqrt3A : vector<1x32xf32>
    %mul3A_17 = arith.mulf %div3A_9, %div3A_16 : vector<1x32xf32>
    %sub3A_18 = arith.subf %get3A_7, %mul3A_17 : vector<1x32xf32>
    %get3A_19 = arith.constant 0 : index
    %get3A_20 = arith.constant 0 : index
    %get3A_21 = vector.load %arg1[%get3A_19, %get3A_20] : memref<256x3xf32, #tpu.memory_space<vmem>>, vector<256x3xf32>
    %get3A_22 = arith.constant 0 : index
    %get3A_23 = arith.constant 0 : index
    %get3A_24 = vector.load %arg2[%get3A_22, %get3A_23] : memref<4096x128xf32, #tpu.memory_space<vmem>>, vector<4096x128xf32>
    %get3A_25 = arith.constant 0 : index
    %get3A_26 = arith.constant 0 : index
    %get3A_27 = vector.load %arg3[%get3A_25, %get3A_26] : memref<256x16xf32, #tpu.memory_space<vmem>>, vector<256x16xf32>
    %get3A_28 = arith.constant 0 : index
    %get3A_29 = arith.constant 0 : index
    %get3A_30 = vector.load %arg6[%get3A_28, %get3A_29] : memref<3x32xf32, #tpu.memory_space<vmem>>, vector<3x32xf32>
    %get3A_31 = arith.constant 0 : index
    %get3A_32 = arith.constant 0 : index
    %get3A_33 = vector.load %arg7[%get3A_31, %get3A_32] : memref<3x32xf32, #tpu.memory_space<vmem>>, vector<3x32xf32>
    %get3A_34 = arith.constant 0 : index
    %get3A_35 = arith.constant 0 : index
    %get3A_36 = vector.load %arg8[%get3A_34, %get3A_35] : memref<1x32xf32, #tpu.memory_space<vmem>>, vector<1x32xf32>
    %get3A_37 = arith.constant 0 : index
    %get3A_38 = arith.constant 0 : index
    %get3A_39 = vector.load %arg9[%get3A_37, %get3A_38] : memref<1x32xf32, #tpu.memory_space<vmem>>, vector<1x32xf32>
    %dot_general3A = arith.constant dense<0.000000e+00> : vector<256x32xf32>
    %dot_general3A_40 = tpu.matmul %get3A_21, %get3A_30, %dot_general3A {dimension_numbers = #tpu.dot_dimension_numbers<[1], [0], [0], [1], [0, 0, 1, 1], [], []>, transpose_lhs_hint = false} : vector<256x3xf32>, vector<3x32xf32>, vector<256x32xf32> -> vector<256x32xf32>
    %slice3A_41 = vector.extract_strided_slice %get3A_24 {offsets = [0, 0], sizes = [4096, 3], strides = [1, 1]} : vector<4096x128xf32> to vector<4096x3xf32>
    %dot_general3A_42 = arith.constant dense<0.000000e+00> : vector<4096x32xf32>
    %dot_general3A_43 = tpu.matmul %slice3A_41, %get3A_33, %dot_general3A_42 {dimension_numbers = #tpu.dot_dimension_numbers<[1], [0], [0], [1], [0, 0, 1, 1], [], []>, transpose_lhs_hint = false} : vector<4096x3xf32>, vector<3x32xf32>, vector<4096x32xf32> -> vector<4096x32xf32>
    %broadcast_in_dim3A = vector.shape_cast %dot_general3A_40 : vector<256x32xf32> to vector<256x1x32xf32>
    %reshape3A = vector.shape_cast %dot_general3A_43 : vector<4096x32xf32> to vector<256x16x32xf32>
    %add3A_44 = vector.broadcast %broadcast_in_dim3A : vector<256x1x32xf32> to vector<256x16x32xf32>
    %add3A_45 = arith.addf %add3A_44, %reshape3A : vector<256x16x32xf32>
    %broadcast_in_dim3A_46 = vector.shape_cast %get3A_27 : vector<256x16xf32> to vector<256x16x1xf32>
    %reshape3A_47 = vector.shape_cast %get3A_36 : vector<1x32xf32> to vector<1x1x32xf32>
    %mul3A_48 = vector.broadcast %broadcast_in_dim3A_46 : vector<256x16x1xf32> to vector<256x16x32xf32>
    %mul3A_49 = vector.broadcast %reshape3A_47 : vector<1x1x32xf32> to vector<256x16x32xf32>
    %mul3A_50 = arith.mulf %mul3A_48, %mul3A_49 : vector<256x16x32xf32>
    %add3A_51 = arith.addf %add3A_45, %mul3A_50 : vector<256x16x32xf32>
    %reshape3A_52 = vector.shape_cast %get3A_39 : vector<1x32xf32> to vector<1x1x32xf32>
    %add3A_53 = vector.broadcast %reshape3A_52 : vector<1x1x32xf32> to vector<256x16x32xf32>
    %add3A_54 = arith.addf %add3A_51, %add3A_53 : vector<256x16x32xf32>
    %reshape3A_55 = vector.shape_cast %div3A_16 : vector<1x32xf32> to vector<1x1x32xf32>
    %mul3A_56 = vector.broadcast %reshape3A_55 : vector<1x1x32xf32> to vector<256x16x32xf32>
    %mul3A_57 = arith.mulf %add3A_54, %mul3A_56 : vector<256x16x32xf32>
    %reshape3A_58 = vector.shape_cast %sub3A_18 : vector<1x32xf32> to vector<1x1x32xf32>
    %add3A_59 = vector.broadcast %reshape3A_58 : vector<1x1x32xf32> to vector<256x16x32xf32>
    %add3A_60 = arith.addf %mul3A_57, %add3A_59 : vector<256x16x32xf32>
    %max3A = arith.constant 0.000000e+00 : f32
    %max3A_61 = vector.broadcast %max3A : f32 to vector<256x16x32xf32>
    %max3A_62 = arith.maximumf %add3A_60, %max3A_61 : vector<256x16x32xf32>
    %get3A_63 = arith.constant 0 : index
    %get3A_64 = arith.constant 0 : index
    %get3A_65 = vector.load %arg4[%get3A_63, %get3A_64] : memref<256x32xf32, #tpu.memory_space<vmem>>, vector<256x32xf32>
    %broadcast_in_dim3A_66 = vector.shape_cast %get3A_65 : vector<256x32xf32> to vector<256x1x32xf32>
    %broadcast_in_dim3A_67 = vector.shape_cast %broadcast_in_dim3A_66 : vector<256x1x32xf32> to vector<256x1x32xf32>
    %broadcast_in_dim3A_68 = vector.broadcast %broadcast_in_dim3A_67 : vector<256x1x32xf32> to vector<256x16x32xf32>
    %concatenate3A = tpu.concatenate %max3A_62, %broadcast_in_dim3A_68 in 2 : vector<256x16x32xf32>, vector<256x16x32xf32> -> vector<256x16x64xf32>
    %get3A_69 = arith.constant 0 : index
    %get3A_70 = arith.constant 0 : index
    %get3A_71 = vector.load %arg12[%get3A_69, %get3A_70] : memref<64x64xf32, #tpu.memory_space<vmem>>, vector<64x64xf32>
    %reshape3A_72 = vector.shape_cast %concatenate3A : vector<256x16x64xf32> to vector<4096x64xf32>
    %dot_general3A_73 = arith.constant dense<0.000000e+00> : vector<4096x64xf32>
    %dot_general3A_74 = tpu.matmul %reshape3A_72, %get3A_71, %dot_general3A_73 {dimension_numbers = #tpu.dot_dimension_numbers<[1], [0], [0], [1], [0, 0, 1, 1], [], []>, transpose_lhs_hint = false} : vector<4096x64xf32>, vector<64x64xf32>, vector<4096x64xf32> -> vector<4096x64xf32>
    %reshape3A_75 = vector.shape_cast %dot_general3A_74 : vector<4096x64xf32> to vector<256x16x64xf32>
    %reduce_max3A = arith.constant dense<0xFF800000> : vector<256x64xf32>
    %reduce_max3A_76 = vector.multi_reduction <maximumf>, %reshape3A_75, %reduce_max3A [1] : vector<256x16x64xf32> to vector<256x64xf32>
    %broadcast_in_dim3A_77 = vector.shape_cast %reduce_max3A_76 : vector<256x64xf32> to vector<256x1x64xf32>
    %sub3A_78 = vector.broadcast %broadcast_in_dim3A_77 : vector<256x1x64xf32> to vector<256x16x64xf32>
    %sub3A_79 = arith.subf %reshape3A_75, %sub3A_78 : vector<256x16x64xf32>
    %exp3A = math.exp %sub3A_79 : vector<256x16x64xf32>
    %reduce_sum3A = arith.constant dense<0.000000e+00> : vector<256x64xf32>
    %reduce_sum3A_80 = vector.multi_reduction <add>, %exp3A, %reduce_sum3A [1] : vector<256x16x64xf32> to vector<256x64xf32>
    %broadcast_in_dim3A_81 = vector.shape_cast %reduce_sum3A_80 : vector<256x64xf32> to vector<256x1x64xf32>
    %div3A_82 = arith.constant 1.000000e+00 : f32
    %div3A_83 = vector.broadcast %div3A_82 : f32 to vector<256x1x64xf32>
    %div3A_84 = arith.divf %div3A_83, %broadcast_in_dim3A_81 : vector<256x1x64xf32>
    %mul3A_85 = vector.broadcast %div3A_84 : vector<256x1x64xf32> to vector<256x16x64xf32>
    %mul3A_86 = arith.mulf %exp3A, %mul3A_85 : vector<256x16x64xf32>
    %mul3A_87 = arith.mulf %mul3A_86, %concatenate3A : vector<256x16x64xf32>
    %reduce_sum3A_88 = arith.constant dense<0.000000e+00> : vector<256x64xf32>
    %reduce_sum3A_89 = vector.multi_reduction <add>, %mul3A_87, %reduce_sum3A_88 [1] : vector<256x16x64xf32> to vector<256x64xf32>
    %get3A_90 = arith.constant 0 : index
    %get3A_91 = arith.constant 0 : index
    %get3A_92 = vector.load %arg13[%get3A_90, %get3A_91] : memref<64x32xf32, #tpu.memory_space<vmem>>, vector<64x32xf32>
    %dot_general3A_93 = arith.constant dense<0.000000e+00> : vector<256x32xf32>
    %dot_general3A_94 = tpu.matmul %reduce_sum3A_89, %get3A_92, %dot_general3A_93 {dimension_numbers = #tpu.dot_dimension_numbers<[1], [0], [0], [1], [0, 0, 1, 1], [], []>, transpose_lhs_hint = false} : vector<256x64xf32>, vector<64x32xf32>, vector<256x32xf32> -> vector<256x32xf32>
    %get3A_95 = arith.constant 0 : index
    %get3A_96 = arith.constant 0 : index
    %get3A_97 = vector.load %arg14[%get3A_95, %get3A_96] : memref<1x32xf32, #tpu.memory_space<vmem>>, vector<1x32xf32>
    %add3A_98 = vector.broadcast %get3A_97 : vector<1x32xf32> to vector<256x32xf32>
    %add3A_99 = arith.addf %dot_general3A_94, %add3A_98 : vector<256x32xf32>
    %swap3A = arith.constant 0 : index
    %swap3A_100 = arith.constant 0 : index
    %swap3A_101 = vector.load %arg15[%swap3A, %swap3A_100] : memref<256x32xf32, #tpu.memory_space<vmem>>, vector<256x32xf32>
    tpu.vector_store %arg15[%swap3A, %swap3A_100], %add3A_99 {strides = array<i32>} : memref<256x32xf32, #tpu.memory_space<vmem>>, vector<256x32xf32>,
    %eq3A = arith.constant 0 : i32
    %eq3A_102 = arith.cmpi eq, %arg0, %eq3A : i32
    %convert_element_type3A = arith.extui %eq3A_102 : i1 to i32
    %cond3A = arith.constant 0 : i32
    %cond3A_103 = arith.cmpi ne, %convert_element_type3A, %cond3A : i32
    scf.if %cond3A_103 {
      %broadcast_in_dim3A_124 = arith.constant 0.000000e+00 : f32
      %broadcast_in_dim3A_125 = vector.broadcast %broadcast_in_dim3A_124 : f32 to vector<2x32xf32>
      %swap3A_126 = arith.constant 0 : index
      %swap3A_127 = arith.constant 0 : index
      %swap3A_128 = vector.load %arg17[%swap3A_126, %swap3A_127] : memref<2x32xf32, #tpu.memory_space<vmem>>, vector<2x32xf32>
      tpu.vector_store %arg17[%swap3A_126, %swap3A_127], %broadcast_in_dim3A_125 {strides = array<i32>} : memref<2x32xf32, #tpu.memory_space<vmem>>, vector<2x32xf32>,
    } else {
    }
    %reduce_sum3A_104 = arith.constant dense<0.000000e+00> : vector<32xf32>
    %reduce_sum3A_105 = vector.multi_reduction <add>, %add3A_99, %reduce_sum3A_104 [0] : vector<256x32xf32> to vector<32xf32>
    %broadcast_in_dim3A_106 = vector.shape_cast %reduce_sum3A_105 : vector<32xf32> to vector<1x32xf32>
    %mul3A_107 = arith.mulf %add3A_99, %add3A_99 : vector<256x32xf32>
    %reduce_sum3A_108 = arith.constant dense<0.000000e+00> : vector<32xf32>
    %reduce_sum3A_109 = vector.multi_reduction <add>, %mul3A_107, %reduce_sum3A_108 [0] : vector<256x32xf32> to vector<32xf32>
    %broadcast_in_dim3A_110 = vector.shape_cast %reduce_sum3A_109 : vector<32xf32> to vector<1x32xf32>
    %get3A_111 = arith.constant 0 : index
    %get3A_112 = arith.constant 0 : index
    %get3A_113 = vector.load %arg17[%get3A_111, %get3A_112] : memref<2x32xf32, #tpu.memory_space<vmem>>, vector<2x32xf32>
    %concatenate3A_114 = tpu.concatenate %broadcast_in_dim3A_106, %broadcast_in_dim3A_110 in 0 : vector<1x32xf32>, vector<1x32xf32> -> vector<2x32xf32>
    %add3A_115 = arith.addf %get3A_113, %concatenate3A_114 : vector<2x32xf32>
    %swap3A_116 = arith.constant 0 : index
    %swap3A_117 = arith.constant 0 : index
    %swap3A_118 = vector.load %arg17[%swap3A_116, %swap3A_117] : memref<2x32xf32, #tpu.memory_space<vmem>>, vector<2x32xf32>
    tpu.vector_store %arg17[%swap3A_116, %swap3A_117], %add3A_115 {strides = array<i32>} : memref<2x32xf32, #tpu.memory_space<vmem>>, vector<2x32xf32>,
    %eq3A_119 = arith.constant 31 : i32
    %eq3A_120 = arith.cmpi eq, %arg0, %eq3A_119 : i32
    %convert_element_type3A_121 = arith.extui %eq3A_120 : i1 to i32
    %cond3A_122 = arith.constant 0 : i32
    %cond3A_123 = arith.cmpi ne, %convert_element_type3A_121, %cond3A_122 : i32
    scf.if %cond3A_123 {
      %get3A_124 = arith.constant 0 : index
      %get3A_125 = arith.constant 0 : index
      %get3A_126 = vector.load %arg17[%get3A_124, %get3A_125] : memref<2x32xf32, #tpu.memory_space<vmem>>, vector<2x32xf32>
      %swap3A_127 = arith.constant 0 : index
      %swap3A_128 = arith.constant 0 : index
      %swap3A_129 = vector.load %arg16[%swap3A_127, %swap3A_128] : memref<2x32xf32, #tpu.memory_space<vmem>>, vector<2x32xf32>
      tpu.vector_store %arg16[%swap3A_127, %swap3A_128], %get3A_126 {strides = array<i32>} : memref<2x32xf32, #tpu.memory_space<vmem>>, vector<2x32xf32>,
    } else {
    }
    return
  }
  func.func @transform_0(%arg0: i32) -> (i32, i32) {
    %c0_i32 = arith.constant 0 : i32
    %c0_i32_0 = arith.constant 0 : i32
    return %arg0, %c0_i32 : i32, i32
  }
  func.func @transform_1(%arg0: i32) -> (i32, i32) {
    %c0_i32 = arith.constant 0 : i32
    %c0_i32_0 = arith.constant 0 : i32
    return %arg0, %c0_i32 : i32, i32
  }
  func.func @transform_2(%arg0: i32) -> (i32, i32) {
    %c0_i32 = arith.constant 0 : i32
    %c0_i32_0 = arith.constant 0 : i32
    return %arg0, %c0_i32 : i32, i32
  }
  func.func @transform_3(%arg0: i32) -> (i32, i32) {
    %c0_i32 = arith.constant 0 : i32
    %c0_i32_0 = arith.constant 0 : i32
    return %arg0, %c0_i32 : i32, i32
  }
  func.func @transform_4(%arg0: i32) -> (i32, i32) {
    %c0_i32 = arith.constant 0 : i32
    %c0_i32_0 = arith.constant 0 : i32
    %c0_i32_1 = arith.constant 0 : i32
    return %c0_i32, %c0_i32_0 : i32, i32
  }
  func.func @transform_5(%arg0: i32) -> (i32, i32) {
    %c0_i32 = arith.constant 0 : i32
    %c0_i32_0 = arith.constant 0 : i32
    %c0_i32_1 = arith.constant 0 : i32
    return %c0_i32, %c0_i32_0 : i32, i32
  }
  func.func @transform_6(%arg0: i32) -> (i32, i32) {
    %c0_i32 = arith.constant 0 : i32
    %c0_i32_0 = arith.constant 0 : i32
    %c0_i32_1 = arith.constant 0 : i32
    return %c0_i32, %c0_i32_0 : i32, i32
  }
  func.func @transform_7(%arg0: i32) -> (i32, i32) {
    %c0_i32 = arith.constant 0 : i32
    %c0_i32_0 = arith.constant 0 : i32
    %c0_i32_1 = arith.constant 0 : i32
    return %c0_i32, %c0_i32_0 : i32, i32
  }
  func.func @transform_8(%arg0: i32) -> (i32, i32) {
    %c0_i32 = arith.constant 0 : i32
    %c0_i32_0 = arith.constant 0 : i32
    %c0_i32_1 = arith.constant 0 : i32
    return %c0_i32, %c0_i32_0 : i32, i32
  }
  func.func @transform_9(%arg0: i32) -> (i32, i32) {
    %c0_i32 = arith.constant 0 : i32
    %c0_i32_0 = arith.constant 0 : i32
    %c0_i32_1 = arith.constant 0 : i32
    return %c0_i32, %c0_i32_0 : i32, i32
  }
  func.func @transform_10(%arg0: i32) -> (i32, i32) {
    %c0_i32 = arith.constant 0 : i32
    %c0_i32_0 = arith.constant 0 : i32
    %c0_i32_1 = arith.constant 0 : i32
    return %c0_i32, %c0_i32_0 : i32, i32
  }
  func.func @transform_11(%arg0: i32) -> (i32, i32) {
    %c0_i32 = arith.constant 0 : i32
    %c0_i32_0 = arith.constant 0 : i32
    %c0_i32_1 = arith.constant 0 : i32
    return %c0_i32, %c0_i32_0 : i32, i32
  }
  func.func @transform_12(%arg0: i32) -> (i32, i32) {
    %c0_i32 = arith.constant 0 : i32
    %c0_i32_0 = arith.constant 0 : i32
    %c0_i32_1 = arith.constant 0 : i32
    return %c0_i32, %c0_i32_0 : i32, i32
  }
  func.func @transform_13(%arg0: i32) -> (i32, i32) {
    %c0_i32 = arith.constant 0 : i32
    %c0_i32_0 = arith.constant 0 : i32
    %c0_i32_1 = arith.constant 0 : i32
    return %c0_i32, %c0_i32_0 : i32, i32
  }
  func.func @transform_14(%arg0: i32) -> (i32, i32) {
    %c0_i32 = arith.constant 0 : i32
    %c0_i32_0 = arith.constant 0 : i32
    return %arg0, %c0_i32 : i32, i32
  }
  func.func @transform_15(%arg0: i32) -> (i32, i32) {
    %c0_i32 = arith.constant 0 : i32
    %c0_i32_0 = arith.constant 0 : i32
    %c0_i32_1 = arith.constant 0 : i32
    return %c0_i32, %c0_i32_0 : i32, i32
  }
}

module attributes {stable_mosaic.version = 14 : i64} {
  func.func @_stage2_body(%arg0: i32, %arg1: memref<256x3xf32, #tpu.memory_space<vmem>>, %arg2: memref<4096x128xf32, #tpu.memory_space<vmem>>, %arg3: memref<256x16xf32, #tpu.memory_space<vmem>>, %arg4: memref<256x32xf32, #tpu.memory_space<vmem>>, %arg5: memref<2x32xf32, #tpu.memory_space<vmem>>, %arg6: memref<2x32xf32, #tpu.memory_space<vmem>>, %arg7: memref<1x32xf32, #tpu.memory_space<vmem>>, %arg8: memref<1x32xf32, #tpu.memory_space<vmem>>, %arg9: memref<3x32xf32, #tpu.memory_space<vmem>>, %arg10: memref<3x32xf32, #tpu.memory_space<vmem>>, %arg11: memref<1x32xf32, #tpu.memory_space<vmem>>, %arg12: memref<1x32xf32, #tpu.memory_space<vmem>>, %arg13: memref<1x32xf32, #tpu.memory_space<vmem>>, %arg14: memref<1x32xf32, #tpu.memory_space<vmem>>, %arg15: memref<64x64xf32, #tpu.memory_space<vmem>>, %arg16: memref<64x64xf32, #tpu.memory_space<vmem>>, %arg17: memref<1x64xf32, #tpu.memory_space<vmem>>, %arg18: memref<256x64xf32, #tpu.memory_space<vmem>>, %arg19: memref<2x64xf32, #tpu.memory_space<vmem>>, %arg20: memref<2x64xf32, #tpu.memory_space<vmem>>) attributes {dimension_semantics = [#tpu.dimension_semantics<arbitrary>], iteration_bounds = array<i64: 32>, scalar_prefetch = 0 : i64, scratch_operands = 1 : i64, tpu.core_type = #tpu.core_type<tc>, window_params = [{transform_indices = @transform_0, window_bounds = array<i64: 256, 3>}, {transform_indices = @transform_1, window_bounds = array<i64: 4096, 128>}, {transform_indices = @transform_2, window_bounds = array<i64: 256, 16>}, {transform_indices = @transform_3, window_bounds = array<i64: 256, 32>}, {pipeline_mode = #tpu.pipeline_mode<synchronous>, transform_indices = @transform_4, window_bounds = array<i64: 2, 32>}, {pipeline_mode = #tpu.pipeline_mode<synchronous>, transform_indices = @transform_5, window_bounds = array<i64: 2, 32>}, {pipeline_mode = #tpu.pipeline_mode<synchronous>, transform_indices = @transform_6, window_bounds = array<i64: 1, 32>}, {pipeline_mode = #tpu.pipeline_mode<synchronous>, transform_indices = @transform_7, window_bounds = array<i64: 1, 32>}, {pipeline_mode = #tpu.pipeline_mode<synchronous>, transform_indices = @transform_8, window_bounds = array<i64: 3, 32>}, {pipeline_mode = #tpu.pipeline_mode<synchronous>, transform_indices = @transform_9, window_bounds = array<i64: 3, 32>}, {pipeline_mode = #tpu.pipeline_mode<synchronous>, transform_indices = @transform_10, window_bounds = array<i64: 1, 32>}, {pipeline_mode = #tpu.pipeline_mode<synchronous>, transform_indices = @transform_11, window_bounds = array<i64: 1, 32>}, {pipeline_mode = #tpu.pipeline_mode<synchronous>, transform_indices = @transform_12, window_bounds = array<i64: 1, 32>}, {pipeline_mode = #tpu.pipeline_mode<synchronous>, transform_indices = @transform_13, window_bounds = array<i64: 1, 32>}, {pipeline_mode = #tpu.pipeline_mode<synchronous>, transform_indices = @transform_14, window_bounds = array<i64: 64, 64>}, {pipeline_mode = #tpu.pipeline_mode<synchronous>, transform_indices = @transform_15, window_bounds = array<i64: 64, 64>}, {pipeline_mode = #tpu.pipeline_mode<synchronous>, transform_indices = @transform_16, window_bounds = array<i64: 1, 64>}, {transform_indices = @transform_17, window_bounds = array<i64: 256, 64>}, {pipeline_mode = #tpu.pipeline_mode<synchronous>, transform_indices = @transform_18, window_bounds = array<i64: 2, 64>}]} {
    %get3A = arith.constant 0 : index
    %get3A_0 = arith.constant 0 : index
    %get3A_1 = vector.load %arg5[%get3A, %get3A_0] : memref<2x32xf32, #tpu.memory_space<vmem>>, vector<2x32xf32>
    %get3A_2 = arith.constant 0 : index
    %get3A_3 = arith.constant 0 : index
    %get3A_4 = vector.load %arg7[%get3A_2, %get3A_3] : memref<1x32xf32, #tpu.memory_space<vmem>>, vector<1x32xf32>
    %get3A_5 = arith.constant 0 : index
    %get3A_6 = arith.constant 0 : index
    %get3A_7 = vector.load %arg8[%get3A_5, %get3A_6] : memref<1x32xf32, #tpu.memory_space<vmem>>, vector<1x32xf32>
    %slice3A = vector.extract_strided_slice %get3A_1 {offsets = [0, 0], sizes = [1, 32], strides = [1, 1]} : vector<2x32xf32> to vector<1x32xf32>
    %div3A = arith.constant 8.192000e+03 : f32
    %div3A_8 = vector.broadcast %div3A : f32 to vector<1x32xf32>
    %div3A_9 = arith.divf %slice3A, %div3A_8 : vector<1x32xf32>
    %slice3A_10 = vector.extract_strided_slice %get3A_1 {offsets = [1, 0], sizes = [1, 32], strides = [1, 1]} : vector<2x32xf32> to vector<1x32xf32>
    %div3A_11 = arith.constant 8.192000e+03 : f32
    %div3A_12 = vector.broadcast %div3A_11 : f32 to vector<1x32xf32>
    %div3A_13 = arith.divf %slice3A_10, %div3A_12 : vector<1x32xf32>
    %mul3A = arith.mulf %div3A_9, %div3A_9 : vector<1x32xf32>
    %sub3A = arith.subf %div3A_13, %mul3A : vector<1x32xf32>
    %add3A = arith.constant 9.99999997E-7 : f32
    %add3A_14 = vector.broadcast %add3A : f32 to vector<1x32xf32>
    %add3A_15 = arith.addf %sub3A, %add3A_14 : vector<1x32xf32>
    %sqrt3A = math.sqrt %add3A_15 : vector<1x32xf32>
    %div3A_16 = arith.divf %get3A_4, %sqrt3A : vector<1x32xf32>
    %mul3A_17 = arith.mulf %div3A_9, %div3A_16 : vector<1x32xf32>
    %sub3A_18 = arith.subf %get3A_7, %mul3A_17 : vector<1x32xf32>
    %get3A_19 = arith.constant 0 : index
    %get3A_20 = arith.constant 0 : index
    %get3A_21 = vector.load %arg4[%get3A_19, %get3A_20] : memref<256x32xf32, #tpu.memory_space<vmem>>, vector<256x32xf32>
    %mul3A_22 = vector.broadcast %div3A_16 : vector<1x32xf32> to vector<256x32xf32>
    %mul3A_23 = arith.mulf %get3A_21, %mul3A_22 : vector<256x32xf32>
    %add3A_24 = vector.broadcast %sub3A_18 : vector<1x32xf32> to vector<256x32xf32>
    %add3A_25 = arith.addf %mul3A_23, %add3A_24 : vector<256x32xf32>
    %max3A = arith.constant 0.000000e+00 : f32
    %max3A_26 = vector.broadcast %max3A : f32 to vector<256x32xf32>
    %max3A_27 = arith.maximumf %add3A_25, %max3A_26 : vector<256x32xf32>
    %get3A_28 = arith.constant 0 : index
    %get3A_29 = arith.constant 0 : index
    %get3A_30 = vector.load %arg6[%get3A_28, %get3A_29] : memref<2x32xf32, #tpu.memory_space<vmem>>, vector<2x32xf32>
    %get3A_31 = arith.constant 0 : index
    %get3A_32 = arith.constant 0 : index
    %get3A_33 = vector.load %arg13[%get3A_31, %get3A_32] : memref<1x32xf32, #tpu.memory_space<vmem>>, vector<1x32xf32>
    %get3A_34 = arith.constant 0 : index
    %get3A_35 = arith.constant 0 : index
    %get3A_36 = vector.load %arg14[%get3A_34, %get3A_35] : memref<1x32xf32, #tpu.memory_space<vmem>>, vector<1x32xf32>
    %slice3A_37 = vector.extract_strided_slice %get3A_30 {offsets = [0, 0], sizes = [1, 32], strides = [1, 1]} : vector<2x32xf32> to vector<1x32xf32>
    %div3A_38 = arith.constant 1.310720e+05 : f32
    %div3A_39 = vector.broadcast %div3A_38 : f32 to vector<1x32xf32>
    %div3A_40 = arith.divf %slice3A_37, %div3A_39 : vector<1x32xf32>
    %slice3A_41 = vector.extract_strided_slice %get3A_30 {offsets = [1, 0], sizes = [1, 32], strides = [1, 1]} : vector<2x32xf32> to vector<1x32xf32>
    %div3A_42 = arith.constant 1.310720e+05 : f32
    %div3A_43 = vector.broadcast %div3A_42 : f32 to vector<1x32xf32>
    %div3A_44 = arith.divf %slice3A_41, %div3A_43 : vector<1x32xf32>
    %mul3A_45 = arith.mulf %div3A_40, %div3A_40 : vector<1x32xf32>
    %sub3A_46 = arith.subf %div3A_44, %mul3A_45 : vector<1x32xf32>
    %add3A_47 = arith.constant 9.99999997E-7 : f32
    %add3A_48 = vector.broadcast %add3A_47 : f32 to vector<1x32xf32>
    %add3A_49 = arith.addf %sub3A_46, %add3A_48 : vector<1x32xf32>
    %sqrt3A_50 = math.sqrt %add3A_49 : vector<1x32xf32>
    %div3A_51 = arith.divf %get3A_33, %sqrt3A_50 : vector<1x32xf32>
    %mul3A_52 = arith.mulf %div3A_40, %div3A_51 : vector<1x32xf32>
    %sub3A_53 = arith.subf %get3A_36, %mul3A_52 : vector<1x32xf32>
    %get3A_54 = arith.constant 0 : index
    %get3A_55 = arith.constant 0 : index
    %get3A_56 = vector.load %arg1[%get3A_54, %get3A_55] : memref<256x3xf32, #tpu.memory_space<vmem>>, vector<256x3xf32>
    %get3A_57 = arith.constant 0 : index
    %get3A_58 = arith.constant 0 : index
    %get3A_59 = vector.load %arg2[%get3A_57, %get3A_58] : memref<4096x128xf32, #tpu.memory_space<vmem>>, vector<4096x128xf32>
    %get3A_60 = arith.constant 0 : index
    %get3A_61 = arith.constant 0 : index
    %get3A_62 = vector.load %arg3[%get3A_60, %get3A_61] : memref<256x16xf32, #tpu.memory_space<vmem>>, vector<256x16xf32>
    %get3A_63 = arith.constant 0 : index
    %get3A_64 = arith.constant 0 : index
    %get3A_65 = vector.load %arg9[%get3A_63, %get3A_64] : memref<3x32xf32, #tpu.memory_space<vmem>>, vector<3x32xf32>
    %get3A_66 = arith.constant 0 : index
    %get3A_67 = arith.constant 0 : index
    %get3A_68 = vector.load %arg10[%get3A_66, %get3A_67] : memref<3x32xf32, #tpu.memory_space<vmem>>, vector<3x32xf32>
    %get3A_69 = arith.constant 0 : index
    %get3A_70 = arith.constant 0 : index
    %get3A_71 = vector.load %arg11[%get3A_69, %get3A_70] : memref<1x32xf32, #tpu.memory_space<vmem>>, vector<1x32xf32>
    %get3A_72 = arith.constant 0 : index
    %get3A_73 = arith.constant 0 : index
    %get3A_74 = vector.load %arg12[%get3A_72, %get3A_73] : memref<1x32xf32, #tpu.memory_space<vmem>>, vector<1x32xf32>
    %dot_general3A = arith.constant dense<0.000000e+00> : vector<256x32xf32>
    %dot_general3A_75 = tpu.matmul %get3A_56, %get3A_65, %dot_general3A {dimension_numbers = #tpu.dot_dimension_numbers<[1], [0], [0], [1], [0, 0, 1, 1], [], []>, transpose_lhs_hint = false} : vector<256x3xf32>, vector<3x32xf32>, vector<256x32xf32> -> vector<256x32xf32>
    %slice3A_76 = vector.extract_strided_slice %get3A_59 {offsets = [0, 0], sizes = [4096, 3], strides = [1, 1]} : vector<4096x128xf32> to vector<4096x3xf32>
    %dot_general3A_77 = arith.constant dense<0.000000e+00> : vector<4096x32xf32>
    %dot_general3A_78 = tpu.matmul %slice3A_76, %get3A_68, %dot_general3A_77 {dimension_numbers = #tpu.dot_dimension_numbers<[1], [0], [0], [1], [0, 0, 1, 1], [], []>, transpose_lhs_hint = false} : vector<4096x3xf32>, vector<3x32xf32>, vector<4096x32xf32> -> vector<4096x32xf32>
    %broadcast_in_dim3A = vector.shape_cast %dot_general3A_75 : vector<256x32xf32> to vector<256x1x32xf32>
    %reshape3A = vector.shape_cast %dot_general3A_78 : vector<4096x32xf32> to vector<256x16x32xf32>
    %add3A_79 = vector.broadcast %broadcast_in_dim3A : vector<256x1x32xf32> to vector<256x16x32xf32>
    %add3A_80 = arith.addf %add3A_79, %reshape3A : vector<256x16x32xf32>
    %broadcast_in_dim3A_81 = vector.shape_cast %get3A_62 : vector<256x16xf32> to vector<256x16x1xf32>
    %reshape3A_82 = vector.shape_cast %get3A_71 : vector<1x32xf32> to vector<1x1x32xf32>
    %mul3A_83 = vector.broadcast %broadcast_in_dim3A_81 : vector<256x16x1xf32> to vector<256x16x32xf32>
    %mul3A_84 = vector.broadcast %reshape3A_82 : vector<1x1x32xf32> to vector<256x16x32xf32>
    %mul3A_85 = arith.mulf %mul3A_83, %mul3A_84 : vector<256x16x32xf32>
    %add3A_86 = arith.addf %add3A_80, %mul3A_85 : vector<256x16x32xf32>
    %reshape3A_87 = vector.shape_cast %get3A_74 : vector<1x32xf32> to vector<1x1x32xf32>
    %add3A_88 = vector.broadcast %reshape3A_87 : vector<1x1x32xf32> to vector<256x16x32xf32>
    %add3A_89 = arith.addf %add3A_86, %add3A_88 : vector<256x16x32xf32>
    %reshape3A_90 = vector.shape_cast %div3A_51 : vector<1x32xf32> to vector<1x1x32xf32>
    %mul3A_91 = vector.broadcast %reshape3A_90 : vector<1x1x32xf32> to vector<256x16x32xf32>
    %mul3A_92 = arith.mulf %add3A_89, %mul3A_91 : vector<256x16x32xf32>
    %reshape3A_93 = vector.shape_cast %sub3A_53 : vector<1x32xf32> to vector<1x1x32xf32>
    %add3A_94 = vector.broadcast %reshape3A_93 : vector<1x1x32xf32> to vector<256x16x32xf32>
    %add3A_95 = arith.addf %mul3A_92, %add3A_94 : vector<256x16x32xf32>
    %max3A_96 = arith.constant 0.000000e+00 : f32
    %max3A_97 = vector.broadcast %max3A_96 : f32 to vector<256x16x32xf32>
    %max3A_98 = arith.maximumf %add3A_95, %max3A_97 : vector<256x16x32xf32>
    %broadcast_in_dim3A_99 = vector.shape_cast %max3A_27 : vector<256x32xf32> to vector<256x1x32xf32>
    %broadcast_in_dim3A_100 = vector.shape_cast %broadcast_in_dim3A_99 : vector<256x1x32xf32> to vector<256x1x32xf32>
    %broadcast_in_dim3A_101 = vector.broadcast %broadcast_in_dim3A_100 : vector<256x1x32xf32> to vector<256x16x32xf32>
    %concatenate3A = tpu.concatenate %max3A_98, %broadcast_in_dim3A_101 in 2 : vector<256x16x32xf32>, vector<256x16x32xf32> -> vector<256x16x64xf32>
    %get3A_102 = arith.constant 0 : index
    %get3A_103 = arith.constant 0 : index
    %get3A_104 = vector.load %arg15[%get3A_102, %get3A_103] : memref<64x64xf32, #tpu.memory_space<vmem>>, vector<64x64xf32>
    %reshape3A_105 = vector.shape_cast %concatenate3A : vector<256x16x64xf32> to vector<4096x64xf32>
    %dot_general3A_106 = arith.constant dense<0.000000e+00> : vector<4096x64xf32>
    %dot_general3A_107 = tpu.matmul %reshape3A_105, %get3A_104, %dot_general3A_106 {dimension_numbers = #tpu.dot_dimension_numbers<[1], [0], [0], [1], [0, 0, 1, 1], [], []>, transpose_lhs_hint = false} : vector<4096x64xf32>, vector<64x64xf32>, vector<4096x64xf32> -> vector<4096x64xf32>
    %reshape3A_108 = vector.shape_cast %dot_general3A_107 : vector<4096x64xf32> to vector<256x16x64xf32>
    %reduce_max3A = arith.constant dense<0xFF800000> : vector<256x64xf32>
    %reduce_max3A_109 = vector.multi_reduction <maximumf>, %reshape3A_108, %reduce_max3A [1] : vector<256x16x64xf32> to vector<256x64xf32>
    %broadcast_in_dim3A_110 = vector.shape_cast %reduce_max3A_109 : vector<256x64xf32> to vector<256x1x64xf32>
    %sub3A_111 = vector.broadcast %broadcast_in_dim3A_110 : vector<256x1x64xf32> to vector<256x16x64xf32>
    %sub3A_112 = arith.subf %reshape3A_108, %sub3A_111 : vector<256x16x64xf32>
    %exp3A = math.exp %sub3A_112 : vector<256x16x64xf32>
    %reduce_sum3A = arith.constant dense<0.000000e+00> : vector<256x64xf32>
    %reduce_sum3A_113 = vector.multi_reduction <add>, %exp3A, %reduce_sum3A [1] : vector<256x16x64xf32> to vector<256x64xf32>
    %broadcast_in_dim3A_114 = vector.shape_cast %reduce_sum3A_113 : vector<256x64xf32> to vector<256x1x64xf32>
    %div3A_115 = arith.constant 1.000000e+00 : f32
    %div3A_116 = vector.broadcast %div3A_115 : f32 to vector<256x1x64xf32>
    %div3A_117 = arith.divf %div3A_116, %broadcast_in_dim3A_114 : vector<256x1x64xf32>
    %mul3A_118 = vector.broadcast %div3A_117 : vector<256x1x64xf32> to vector<256x16x64xf32>
    %mul3A_119 = arith.mulf %exp3A, %mul3A_118 : vector<256x16x64xf32>
    %mul3A_120 = arith.mulf %mul3A_119, %concatenate3A : vector<256x16x64xf32>
    %reduce_sum3A_121 = arith.constant dense<0.000000e+00> : vector<256x64xf32>
    %reduce_sum3A_122 = vector.multi_reduction <add>, %mul3A_120, %reduce_sum3A_121 [1] : vector<256x16x64xf32> to vector<256x64xf32>
    %get3A_123 = arith.constant 0 : index
    %get3A_124 = arith.constant 0 : index
    %get3A_125 = vector.load %arg16[%get3A_123, %get3A_124] : memref<64x64xf32, #tpu.memory_space<vmem>>, vector<64x64xf32>
    %dot_general3A_126 = arith.constant dense<0.000000e+00> : vector<256x64xf32>
    %dot_general3A_127 = tpu.matmul %reduce_sum3A_122, %get3A_125, %dot_general3A_126 {dimension_numbers = #tpu.dot_dimension_numbers<[1], [0], [0], [1], [0, 0, 1, 1], [], []>, transpose_lhs_hint = false} : vector<256x64xf32>, vector<64x64xf32>, vector<256x64xf32> -> vector<256x64xf32>
    %get3A_128 = arith.constant 0 : index
    %get3A_129 = arith.constant 0 : index
    %get3A_130 = vector.load %arg17[%get3A_128, %get3A_129] : memref<1x64xf32, #tpu.memory_space<vmem>>, vector<1x64xf32>
    %add3A_131 = vector.broadcast %get3A_130 : vector<1x64xf32> to vector<256x64xf32>
    %add3A_132 = arith.addf %dot_general3A_127, %add3A_131 : vector<256x64xf32>
    %swap3A = arith.constant 0 : index
    %swap3A_133 = arith.constant 0 : index
    %swap3A_134 = vector.load %arg18[%swap3A, %swap3A_133] : memref<256x64xf32, #tpu.memory_space<vmem>>, vector<256x64xf32>
    tpu.vector_store %arg18[%swap3A, %swap3A_133], %add3A_132 {strides = array<i32>} : memref<256x64xf32, #tpu.memory_space<vmem>>, vector<256x64xf32>,
    %eq3A = arith.constant 0 : i32
    %eq3A_135 = arith.cmpi eq, %arg0, %eq3A : i32
    %convert_element_type3A = arith.extui %eq3A_135 : i1 to i32
    %cond3A = arith.constant 0 : i32
    %cond3A_136 = arith.cmpi ne, %convert_element_type3A, %cond3A : i32
    scf.if %cond3A_136 {
      %broadcast_in_dim3A_157 = arith.constant 0.000000e+00 : f32
      %broadcast_in_dim3A_158 = vector.broadcast %broadcast_in_dim3A_157 : f32 to vector<2x64xf32>
      %swap3A_159 = arith.constant 0 : index
      %swap3A_160 = arith.constant 0 : index
      %swap3A_161 = vector.load %arg20[%swap3A_159, %swap3A_160] : memref<2x64xf32, #tpu.memory_space<vmem>>, vector<2x64xf32>
      tpu.vector_store %arg20[%swap3A_159, %swap3A_160], %broadcast_in_dim3A_158 {strides = array<i32>} : memref<2x64xf32, #tpu.memory_space<vmem>>, vector<2x64xf32>,
    } else {
    }
    %reduce_sum3A_137 = arith.constant dense<0.000000e+00> : vector<64xf32>
    %reduce_sum3A_138 = vector.multi_reduction <add>, %add3A_132, %reduce_sum3A_137 [0] : vector<256x64xf32> to vector<64xf32>
    %broadcast_in_dim3A_139 = vector.shape_cast %reduce_sum3A_138 : vector<64xf32> to vector<1x64xf32>
    %mul3A_140 = arith.mulf %add3A_132, %add3A_132 : vector<256x64xf32>
    %reduce_sum3A_141 = arith.constant dense<0.000000e+00> : vector<64xf32>
    %reduce_sum3A_142 = vector.multi_reduction <add>, %mul3A_140, %reduce_sum3A_141 [0] : vector<256x64xf32> to vector<64xf32>
    %broadcast_in_dim3A_143 = vector.shape_cast %reduce_sum3A_142 : vector<64xf32> to vector<1x64xf32>
    %get3A_144 = arith.constant 0 : index
    %get3A_145 = arith.constant 0 : index
    %get3A_146 = vector.load %arg20[%get3A_144, %get3A_145] : memref<2x64xf32, #tpu.memory_space<vmem>>, vector<2x64xf32>
    %concatenate3A_147 = tpu.concatenate %broadcast_in_dim3A_139, %broadcast_in_dim3A_143 in 0 : vector<1x64xf32>, vector<1x64xf32> -> vector<2x64xf32>
    %add3A_148 = arith.addf %get3A_146, %concatenate3A_147 : vector<2x64xf32>
    %swap3A_149 = arith.constant 0 : index
    %swap3A_150 = arith.constant 0 : index
    %swap3A_151 = vector.load %arg20[%swap3A_149, %swap3A_150] : memref<2x64xf32, #tpu.memory_space<vmem>>, vector<2x64xf32>
    tpu.vector_store %arg20[%swap3A_149, %swap3A_150], %add3A_148 {strides = array<i32>} : memref<2x64xf32, #tpu.memory_space<vmem>>, vector<2x64xf32>,
    %eq3A_152 = arith.constant 31 : i32
    %eq3A_153 = arith.cmpi eq, %arg0, %eq3A_152 : i32
    %convert_element_type3A_154 = arith.extui %eq3A_153 : i1 to i32
    %cond3A_155 = arith.constant 0 : i32
    %cond3A_156 = arith.cmpi ne, %convert_element_type3A_154, %cond3A_155 : i32
    scf.if %cond3A_156 {
      %get3A_157 = arith.constant 0 : index
      %get3A_158 = arith.constant 0 : index
      %get3A_159 = vector.load %arg20[%get3A_157, %get3A_158] : memref<2x64xf32, #tpu.memory_space<vmem>>, vector<2x64xf32>
      %swap3A_160 = arith.constant 0 : index
      %swap3A_161 = arith.constant 0 : index
      %swap3A_162 = vector.load %arg19[%swap3A_160, %swap3A_161] : memref<2x64xf32, #tpu.memory_space<vmem>>, vector<2x64xf32>
      tpu.vector_store %arg19[%swap3A_160, %swap3A_161], %get3A_159 {strides = array<i32>} : memref<2x64xf32, #tpu.memory_space<vmem>>, vector<2x64xf32>,
    } else {
    }
    return
  }
  func.func @transform_0(%arg0: i32) -> (i32, i32) {
    %c0_i32 = arith.constant 0 : i32
    %c0_i32_0 = arith.constant 0 : i32
    return %arg0, %c0_i32 : i32, i32
  }
  func.func @transform_1(%arg0: i32) -> (i32, i32) {
    %c0_i32 = arith.constant 0 : i32
    %c0_i32_0 = arith.constant 0 : i32
    return %arg0, %c0_i32 : i32, i32
  }
  func.func @transform_2(%arg0: i32) -> (i32, i32) {
    %c0_i32 = arith.constant 0 : i32
    %c0_i32_0 = arith.constant 0 : i32
    return %arg0, %c0_i32 : i32, i32
  }
  func.func @transform_3(%arg0: i32) -> (i32, i32) {
    %c0_i32 = arith.constant 0 : i32
    %c0_i32_0 = arith.constant 0 : i32
    return %arg0, %c0_i32 : i32, i32
  }
  func.func @transform_4(%arg0: i32) -> (i32, i32) {
    %c0_i32 = arith.constant 0 : i32
    %c0_i32_0 = arith.constant 0 : i32
    %c0_i32_1 = arith.constant 0 : i32
    return %c0_i32, %c0_i32_0 : i32, i32
  }
  func.func @transform_5(%arg0: i32) -> (i32, i32) {
    %c0_i32 = arith.constant 0 : i32
    %c0_i32_0 = arith.constant 0 : i32
    %c0_i32_1 = arith.constant 0 : i32
    return %c0_i32, %c0_i32_0 : i32, i32
  }
  func.func @transform_6(%arg0: i32) -> (i32, i32) {
    %c0_i32 = arith.constant 0 : i32
    %c0_i32_0 = arith.constant 0 : i32
    %c0_i32_1 = arith.constant 0 : i32
    return %c0_i32, %c0_i32_0 : i32, i32
  }
  func.func @transform_7(%arg0: i32) -> (i32, i32) {
    %c0_i32 = arith.constant 0 : i32
    %c0_i32_0 = arith.constant 0 : i32
    %c0_i32_1 = arith.constant 0 : i32
    return %c0_i32, %c0_i32_0 : i32, i32
  }
  func.func @transform_8(%arg0: i32) -> (i32, i32) {
    %c0_i32 = arith.constant 0 : i32
    %c0_i32_0 = arith.constant 0 : i32
    %c0_i32_1 = arith.constant 0 : i32
    return %c0_i32, %c0_i32_0 : i32, i32
  }
  func.func @transform_9(%arg0: i32) -> (i32, i32) {
    %c0_i32 = arith.constant 0 : i32
    %c0_i32_0 = arith.constant 0 : i32
    %c0_i32_1 = arith.constant 0 : i32
    return %c0_i32, %c0_i32_0 : i32, i32
  }
  func.func @transform_10(%arg0: i32) -> (i32, i32) {
    %c0_i32 = arith.constant 0 : i32
    %c0_i32_0 = arith.constant 0 : i32
    %c0_i32_1 = arith.constant 0 : i32
    return %c0_i32, %c0_i32_0 : i32, i32
  }
  func.func @transform_11(%arg0: i32) -> (i32, i32) {
    %c0_i32 = arith.constant 0 : i32
    %c0_i32_0 = arith.constant 0 : i32
    %c0_i32_1 = arith.constant 0 : i32
    return %c0_i32, %c0_i32_0 : i32, i32
  }
  func.func @transform_12(%arg0: i32) -> (i32, i32) {
    %c0_i32 = arith.constant 0 : i32
    %c0_i32_0 = arith.constant 0 : i32
    %c0_i32_1 = arith.constant 0 : i32
    return %c0_i32, %c0_i32_0 : i32, i32
  }
  func.func @transform_13(%arg0: i32) -> (i32, i32) {
    %c0_i32 = arith.constant 0 : i32
    %c0_i32_0 = arith.constant 0 : i32
    %c0_i32_1 = arith.constant 0 : i32
    return %c0_i32, %c0_i32_0 : i32, i32
  }
  func.func @transform_14(%arg0: i32) -> (i32, i32) {
    %c0_i32 = arith.constant 0 : i32
    %c0_i32_0 = arith.constant 0 : i32
    %c0_i32_1 = arith.constant 0 : i32
    return %c0_i32, %c0_i32_0 : i32, i32
  }
  func.func @transform_15(%arg0: i32) -> (i32, i32) {
    %c0_i32 = arith.constant 0 : i32
    %c0_i32_0 = arith.constant 0 : i32
    %c0_i32_1 = arith.constant 0 : i32
    return %c0_i32, %c0_i32_0 : i32, i32
  }
  func.func @transform_16(%arg0: i32) -> (i32, i32) {
    %c0_i32 = arith.constant 0 : i32
    %c0_i32_0 = arith.constant 0 : i32
    %c0_i32_1 = arith.constant 0 : i32
    return %c0_i32, %c0_i32_0 : i32, i32
  }
  func.func @transform_17(%arg0: i32) -> (i32, i32) {
    %c0_i32 = arith.constant 0 : i32
    %c0_i32_0 = arith.constant 0 : i32
    return %arg0, %c0_i32 : i32, i32
  }
  func.func @transform_18(%arg0: i32) -> (i32, i32) {
    %c0_i32 = arith.constant 0 : i32
    %c0_i32_0 = arith.constant 0 : i32
    %c0_i32_1 = arith.constant 0 : i32
    return %c0_i32, %c0_i32_0 : i32, i32
  }
}

module attributes {stable_mosaic.version = 14 : i64} {
  func.func @_final_body(%arg0: i32, %arg1: memref<256x64xf32, #tpu.memory_space<vmem>>, %arg2: memref<2x64xf32, #tpu.memory_space<vmem>>, %arg3: memref<1x64xf32, #tpu.memory_space<vmem>>, %arg4: memref<1x64xf32, #tpu.memory_space<vmem>>, %arg5: memref<256x128xf32, #tpu.memory_space<vmem>>, %arg6: memref<2x128xf32, #tpu.memory_space<vmem>>, %arg7: memref<1x128xf32, #tpu.memory_space<vmem>>, %arg8: memref<1x128xf32, #tpu.memory_space<vmem>>, %arg9: memref<64x128xf32, #tpu.memory_space<vmem>>, %arg10: memref<1x128xf32, #tpu.memory_space<vmem>>, %arg11: memref<256x128xf32, #tpu.memory_space<vmem>>) attributes {dimension_semantics = [#tpu.dimension_semantics<arbitrary>], iteration_bounds = array<i64: 32>, scalar_prefetch = 0 : i64, scratch_operands = 0 : i64, tpu.core_type = #tpu.core_type<tc>, window_params = [{transform_indices = @transform_0, window_bounds = array<i64: 256, 64>}, {pipeline_mode = #tpu.pipeline_mode<synchronous>, transform_indices = @transform_1, window_bounds = array<i64: 2, 64>}, {pipeline_mode = #tpu.pipeline_mode<synchronous>, transform_indices = @transform_2, window_bounds = array<i64: 1, 64>}, {pipeline_mode = #tpu.pipeline_mode<synchronous>, transform_indices = @transform_3, window_bounds = array<i64: 1, 64>}, {transform_indices = @transform_4, window_bounds = array<i64: 256, 128>}, {pipeline_mode = #tpu.pipeline_mode<synchronous>, transform_indices = @transform_5, window_bounds = array<i64: 2, 128>}, {pipeline_mode = #tpu.pipeline_mode<synchronous>, transform_indices = @transform_6, window_bounds = array<i64: 1, 128>}, {pipeline_mode = #tpu.pipeline_mode<synchronous>, transform_indices = @transform_7, window_bounds = array<i64: 1, 128>}, {pipeline_mode = #tpu.pipeline_mode<synchronous>, transform_indices = @transform_8, window_bounds = array<i64: 64, 128>}, {pipeline_mode = #tpu.pipeline_mode<synchronous>, transform_indices = @transform_9, window_bounds = array<i64: 1, 128>}, {transform_indices = @transform_10, window_bounds = array<i64: 256, 128>}]} {
    %get3A = arith.constant 0 : index
    %get3A_0 = arith.constant 0 : index
    %get3A_1 = vector.load %arg2[%get3A, %get3A_0] : memref<2x64xf32, #tpu.memory_space<vmem>>, vector<2x64xf32>
    %get3A_2 = arith.constant 0 : index
    %get3A_3 = arith.constant 0 : index
    %get3A_4 = vector.load %arg3[%get3A_2, %get3A_3] : memref<1x64xf32, #tpu.memory_space<vmem>>, vector<1x64xf32>
    %get3A_5 = arith.constant 0 : index
    %get3A_6 = arith.constant 0 : index
    %get3A_7 = vector.load %arg4[%get3A_5, %get3A_6] : memref<1x64xf32, #tpu.memory_space<vmem>>, vector<1x64xf32>
    %slice3A = vector.extract_strided_slice %get3A_1 {offsets = [0, 0], sizes = [1, 64], strides = [1, 1]} : vector<2x64xf32> to vector<1x64xf32>
    %div3A = arith.constant 8.192000e+03 : f32
    %div3A_8 = vector.broadcast %div3A : f32 to vector<1x64xf32>
    %div3A_9 = arith.divf %slice3A, %div3A_8 : vector<1x64xf32>
    %slice3A_10 = vector.extract_strided_slice %get3A_1 {offsets = [1, 0], sizes = [1, 64], strides = [1, 1]} : vector<2x64xf32> to vector<1x64xf32>
    %div3A_11 = arith.constant 8.192000e+03 : f32
    %div3A_12 = vector.broadcast %div3A_11 : f32 to vector<1x64xf32>
    %div3A_13 = arith.divf %slice3A_10, %div3A_12 : vector<1x64xf32>
    %mul3A = arith.mulf %div3A_9, %div3A_9 : vector<1x64xf32>
    %sub3A = arith.subf %div3A_13, %mul3A : vector<1x64xf32>
    %add3A = arith.constant 9.99999997E-7 : f32
    %add3A_14 = vector.broadcast %add3A : f32 to vector<1x64xf32>
    %add3A_15 = arith.addf %sub3A, %add3A_14 : vector<1x64xf32>
    %sqrt3A = math.sqrt %add3A_15 : vector<1x64xf32>
    %div3A_16 = arith.divf %get3A_4, %sqrt3A : vector<1x64xf32>
    %mul3A_17 = arith.mulf %div3A_9, %div3A_16 : vector<1x64xf32>
    %sub3A_18 = arith.subf %get3A_7, %mul3A_17 : vector<1x64xf32>
    %get3A_19 = arith.constant 0 : index
    %get3A_20 = arith.constant 0 : index
    %get3A_21 = vector.load %arg1[%get3A_19, %get3A_20] : memref<256x64xf32, #tpu.memory_space<vmem>>, vector<256x64xf32>
    %mul3A_22 = vector.broadcast %div3A_16 : vector<1x64xf32> to vector<256x64xf32>
    %mul3A_23 = arith.mulf %get3A_21, %mul3A_22 : vector<256x64xf32>
    %add3A_24 = vector.broadcast %sub3A_18 : vector<1x64xf32> to vector<256x64xf32>
    %add3A_25 = arith.addf %mul3A_23, %add3A_24 : vector<256x64xf32>
    %max3A = arith.constant 0.000000e+00 : f32
    %max3A_26 = vector.broadcast %max3A : f32 to vector<256x64xf32>
    %max3A_27 = arith.maximumf %add3A_25, %max3A_26 : vector<256x64xf32>
    %get3A_28 = arith.constant 0 : index
    %get3A_29 = arith.constant 0 : index
    %get3A_30 = vector.load %arg6[%get3A_28, %get3A_29] : memref<2x128xf32, #tpu.memory_space<vmem>>, vector<2x128xf32>
    %get3A_31 = arith.constant 0 : index
    %get3A_32 = arith.constant 0 : index
    %get3A_33 = vector.load %arg7[%get3A_31, %get3A_32] : memref<1x128xf32, #tpu.memory_space<vmem>>, vector<1x128xf32>
    %get3A_34 = arith.constant 0 : index
    %get3A_35 = arith.constant 0 : index
    %get3A_36 = vector.load %arg8[%get3A_34, %get3A_35] : memref<1x128xf32, #tpu.memory_space<vmem>>, vector<1x128xf32>
    %slice3A_37 = vector.extract_strided_slice %get3A_30 {offsets = [0, 0], sizes = [1, 128], strides = [1, 1]} : vector<2x128xf32> to vector<1x128xf32>
    %div3A_38 = arith.constant 8.192000e+03 : f32
    %div3A_39 = vector.broadcast %div3A_38 : f32 to vector<1x128xf32>
    %div3A_40 = arith.divf %slice3A_37, %div3A_39 : vector<1x128xf32>
    %slice3A_41 = vector.extract_strided_slice %get3A_30 {offsets = [1, 0], sizes = [1, 128], strides = [1, 1]} : vector<2x128xf32> to vector<1x128xf32>
    %div3A_42 = arith.constant 8.192000e+03 : f32
    %div3A_43 = vector.broadcast %div3A_42 : f32 to vector<1x128xf32>
    %div3A_44 = arith.divf %slice3A_41, %div3A_43 : vector<1x128xf32>
    %mul3A_45 = arith.mulf %div3A_40, %div3A_40 : vector<1x128xf32>
    %sub3A_46 = arith.subf %div3A_44, %mul3A_45 : vector<1x128xf32>
    %add3A_47 = arith.constant 9.99999997E-7 : f32
    %add3A_48 = vector.broadcast %add3A_47 : f32 to vector<1x128xf32>
    %add3A_49 = arith.addf %sub3A_46, %add3A_48 : vector<1x128xf32>
    %sqrt3A_50 = math.sqrt %add3A_49 : vector<1x128xf32>
    %div3A_51 = arith.divf %get3A_33, %sqrt3A_50 : vector<1x128xf32>
    %mul3A_52 = arith.mulf %div3A_40, %div3A_51 : vector<1x128xf32>
    %sub3A_53 = arith.subf %get3A_36, %mul3A_52 : vector<1x128xf32>
    %get3A_54 = arith.constant 0 : index
    %get3A_55 = arith.constant 0 : index
    %get3A_56 = vector.load %arg5[%get3A_54, %get3A_55] : memref<256x128xf32, #tpu.memory_space<vmem>>, vector<256x128xf32>
    %mul3A_57 = vector.broadcast %div3A_51 : vector<1x128xf32> to vector<256x128xf32>
    %mul3A_58 = arith.mulf %get3A_56, %mul3A_57 : vector<256x128xf32>
    %add3A_59 = vector.broadcast %sub3A_53 : vector<1x128xf32> to vector<256x128xf32>
    %add3A_60 = arith.addf %mul3A_58, %add3A_59 : vector<256x128xf32>
    %get3A_61 = arith.constant 0 : index
    %get3A_62 = arith.constant 0 : index
    %get3A_63 = vector.load %arg9[%get3A_61, %get3A_62] : memref<64x128xf32, #tpu.memory_space<vmem>>, vector<64x128xf32>
    %dot_general3A = arith.constant dense<0.000000e+00> : vector<256x128xf32>
    %dot_general3A_64 = tpu.matmul %max3A_27, %get3A_63, %dot_general3A {dimension_numbers = #tpu.dot_dimension_numbers<[1], [0], [0], [1], [0, 0, 1, 1], [], []>, transpose_lhs_hint = false} : vector<256x64xf32>, vector<64x128xf32>, vector<256x128xf32> -> vector<256x128xf32>
    %get3A_65 = arith.constant 0 : index
    %get3A_66 = arith.constant 0 : index
    %get3A_67 = vector.load %arg10[%get3A_65, %get3A_66] : memref<1x128xf32, #tpu.memory_space<vmem>>, vector<1x128xf32>
    %add3A_68 = vector.broadcast %get3A_67 : vector<1x128xf32> to vector<256x128xf32>
    %add3A_69 = arith.addf %dot_general3A_64, %add3A_68 : vector<256x128xf32>
    %add3A_70 = arith.addf %add3A_69, %add3A_60 : vector<256x128xf32>
    %ge3A = arith.constant 0.000000e+00 : f32
    %ge3A_71 = vector.broadcast %ge3A : f32 to vector<256x128xf32>
    %ge3A_72 = arith.cmpf oge, %add3A_70, %ge3A_71 : vector<256x128xf32>
    %mul3A_73 = arith.constant 0.00999999977 : f32
    %mul3A_74 = vector.broadcast %mul3A_73 : f32 to vector<256x128xf32>
    %mul3A_75 = arith.mulf %mul3A_74, %add3A_70 : vector<256x128xf32>
    %select_n3A = arith.select %ge3A_72, %add3A_70, %mul3A_75 : vector<256x128xi1>, vector<256x128xf32>
    %swap3A = arith.constant 0 : index
    %swap3A_76 = arith.constant 0 : index
    %swap3A_77 = vector.load %arg11[%swap3A, %swap3A_76] : memref<256x128xf32, #tpu.memory_space<vmem>>, vector<256x128xf32>
    tpu.vector_store %arg11[%swap3A, %swap3A_76], %select_n3A {strides = array<i32>} : memref<256x128xf32, #tpu.memory_space<vmem>>, vector<256x128xf32>,
    return
  }
  func.func @transform_0(%arg0: i32) -> (i32, i32) {
    %c0_i32 = arith.constant 0 : i32
    %c0_i32_0 = arith.constant 0 : i32
    return %arg0, %c0_i32 : i32, i32
  }
  func.func @transform_1(%arg0: i32) -> (i32, i32) {
    %c0_i32 = arith.constant 0 : i32
    %c0_i32_0 = arith.constant 0 : i32
    %c0_i32_1 = arith.constant 0 : i32
    return %c0_i32, %c0_i32_0 : i32, i32
  }
  func.func @transform_2(%arg0: i32) -> (i32, i32) {
    %c0_i32 = arith.constant 0 : i32
    %c0_i32_0 = arith.constant 0 : i32
    %c0_i32_1 = arith.constant 0 : i32
    return %c0_i32, %c0_i32_0 : i32, i32
  }
  func.func @transform_3(%arg0: i32) -> (i32, i32) {
    %c0_i32 = arith.constant 0 : i32
    %c0_i32_0 = arith.constant 0 : i32
    %c0_i32_1 = arith.constant 0 : i32
    return %c0_i32, %c0_i32_0 : i32, i32
  }
  func.func @transform_4(%arg0: i32) -> (i32, i32) {
    %c0_i32 = arith.constant 0 : i32
    %c0_i32_0 = arith.constant 0 : i32
    return %arg0, %c0_i32 : i32, i32
  }
  func.func @transform_5(%arg0: i32) -> (i32, i32) {
    %c0_i32 = arith.constant 0 : i32
    %c0_i32_0 = arith.constant 0 : i32
    %c0_i32_1 = arith.constant 0 : i32
    return %c0_i32, %c0_i32_0 : i32, i32
  }
  func.func @transform_6(%arg0: i32) -> (i32, i32) {
    %c0_i32 = arith.constant 0 : i32
    %c0_i32_0 = arith.constant 0 : i32
    %c0_i32_1 = arith.constant 0 : i32
    return %c0_i32, %c0_i32_0 : i32, i32
  }
  func.func @transform_7(%arg0: i32) -> (i32, i32) {
    %c0_i32 = arith.constant 0 : i32
    %c0_i32_0 = arith.constant 0 : i32
    %c0_i32_1 = arith.constant 0 : i32
    return %c0_i32, %c0_i32_0 : i32, i32
  }
  func.func @transform_8(%arg0: i32) -> (i32, i32) {
    %c0_i32 = arith.constant 0 : i32
    %c0_i32_0 = arith.constant 0 : i32
    %c0_i32_1 = arith.constant 0 : i32
    return %c0_i32, %c0_i32_0 : i32, i32
  }
  func.func @transform_9(%arg0: i32) -> (i32, i32) {
    %c0_i32 = arith.constant 0 : i32
    %c0_i32_0 = arith.constant 0 : i32
    %c0_i32_1 = arith.constant 0 : i32
    return %c0_i32, %c0_i32_0 : i32, i32
  }
  func.func @transform_10(%arg0: i32) -> (i32, i32) {
    %c0_i32 = arith.constant 0 : i32
    %c0_i32_0 = arith.constant 0 : i32
    return %arg0, %c0_i32 : i32, i32
  }
}

</mosaic_0001>

<sc_bundles>
// kernel: kernel.9.cloned.1.call-start
scs
__scs_entry_jumppad:
0x0: {  	(pc) =	sbr.rel $0x88, $3  }
0x1: {  	(tag) =	ssettag $0x0;
	lr =	simm.s32 $0x1  }
0x2: {  	[smem:$0x3F85] =	sst lr;
	_ =	strace $0xD0000000  }
0x3: {  	_ = 	snop  }
0x4: {  	_ = 	snop  }
0x5: {  	_ = 	snop  }
0x6: {  	_ = 	snop  }
0x7: {  	_ = 	snop  }
__scs_overlays_trampoline_lowered:
0x8: {  	[smem:$0x3F94] =	sst s0  }
0x9: {  	[smem:$0x3F95] =	sst s1  }
0xa: {  	[smem:$0x3F96] =	sst s2  }
0xb: {  	[smem:$0x3F97] =	sst s3  }
0xc: {  	[smem:$0x3F98] =	sst s4  }
0xd: {  	[smem:$0x3F99] =	sst s5  }
0xe: {  	[smem:$0x3F9A] =	sst s6  }
0xf: {  	[smem:$0x3F9B] =	sst s7  }
0x10: {  	[smem:$0x3F9C] =	sst s8  }
0x11: {  	[smem:$0x3F9D] =	sst s9;
	s0 =	simm.s32 @!p0 $0x0  }
0x12: {  	s1 =	sld [smem:$0x3F83];
	s0 =	simm.s32 @p0 $0x1  }
0x13: {  	[smem:$0x3F9E] =	sst s0;
	s0 =	simm.s32 @!p1 $0x0  }
0x14: {  	s2 =	sld [smem:$0x3F82];
	s0 =	simm.s32 @p1 $0x1  }
0x15: {  	[smem:$0x3F9F] =	sst s0;
	s0 =	simm.s32 @!p2 $0x0  }
0x16: {  	s3 =	sld [smem:$0x3FDB];
	s0 =	simm.s32 @p2 $0x1  }
0x17: {  	s4 =	simm.s32 $0x1BF5;
	[smem:$0x3FA1] =	sst s0  }
0x18: {  	s0 =	sld [smem:$0x3F84];
	_ =	swait.ge [sflag:s4], $0x0  }
0x19: {  	s7 =	sld [smem:$0x3F85]  }
0x1a: {  	s8 =	sadd.s32 $0xFFFFE003, lr  }
0x1b: {  	s9 =	sadd.s32 $0xFFFFFEF7, lr;
	s5 =	simm.s32 $0xFFFFFFFF;
	p2 =	slt.u32 s8, $0xFFFFF086  }
0x1c: {  	p1 =	slt.u32 s9, $0xF7A;
	s5 =	simm.s32 @!p2 $0x0  }
0x1d: {  	s5 =	simm.s32 @p1 $0x1;
	p0 =	seq.s32 s7, s2  }
0x1e: {  	s7 =	smul.u32 @!p0 $0xF7A, s2;
	p2 =	seq.s32 @!p0 s5, $0x0  }
0x1f: {  	s9 =	smul.u32 $0xF7A, s1;
	s8 =	simm.s32 @!p0 $0x1BF5;
	p2 =	por !p2, p0  }
0x20: {  	[sflag:s8] =	ssyncset.s32 @!p0 $0xFFFFF086;
	s6 =	sadd.s32 @!p0 s3, s7;
	s7 =	simm.s32 @!p0 $0x108  }
0x21: {  	s3 =	sadd.s32 s3, s9;
	s6 =	sadd.s32 @!p0 $0x88, s6;
	s7 =	simm.s32 @p2 $0x1082  }
0x22: {  	[simem:s7], [sflag:s8] =	dma.local @!p0 [hbm:s6], $0xF7A  }
0x23: {  	s9 =	sor.u32 $0xD0000000, s2;
	s6 =	simm.s32 $0x108;
	_ =	swait.ge @!p0 [sflag:s8], $0x0  }
0x24: {  	s3 =	sadd.s32 $0x88, s3;
	s6 =	simm.s32 @!p1 $0x1082;
	[sflag:s4] =	ssyncset.s32 $0xFFFFF086  }
0x25: {  	[simem:s6], [sflag:s4] =	dma.local [hbm:s3], $0xF7A  }
0x26: {  	[smem:$0x3F85] =	sst s1;
	(tag) =	ssettag s2;
	_ =	strace s9  }
0x27: {  	s1 =	sld [smem:$0x3F95]  }
0x28: {  	s2 =	sld [smem:$0x3F96]  }
0x29: {  	s4 =	sld [smem:$0x3F98]  }
0x2a: {  	p0 =	seq.s32 s5, $0x0;
	s5 =	sld [smem:$0x3F99]  }
0x2b: {  	s6 =	sld [smem:$0x3F9A]  }
0x2c: {  	s7 =	sld [smem:$0x3F9B]  }
0x2d: {  	s3 =	simm.s32 $0x108;
	s8 =	sld [smem:$0x3F9C]  }
0x2e: {  	s3 =	simm.s32 @!p0 $0x1082;
	s9 =	sld [smem:$0x3F9D]  }
0x2f: {  	lr =	sadd.s32 s0, s3;
	s0 =	sld [smem:$0x3F94]  }
0x30: {  	s3 =	sld [smem:$0x3F97]  }
0x31: {  	[smem:$0x3FA0] =	sst s10  }
0x32: {  	s10 =	sld [smem:$0x3F9E];
	_ =	sdelay $0x3  }
0x33: {  	p0 =	seq.s32 s10, $0x1;
	s10 =	sld [smem:$0x3FA0];
	_ =	sdelay $0x3  }
0x34: {  	[smem:$0x3FA0] =	sst s10  }
0x35: {  	s10 =	sld [smem:$0x3F9F];
	_ =	sdelay $0x3  }
0x36: {  	p1 =	seq.s32 s10, $0x1;
	s10 =	sld [smem:$0x3FA0];
	_ =	sdelay $0x3  }
0x37: {  	[smem:$0x3FA0] =	sst s10  }
0x38: {  	s10 =	sld [smem:$0x3FA1]  }
0x39: {  	_ = 	snop;
	(pc) =	sbr.ind lr, $3  }
0x3a: {  	_ = 	snop  }
0x3b: {  	_ = 	snop  }
0x3c: {  	p2 =	seq.s32 s10, $0x1;
	s10 =	sld [smem:$0x3FA0]  }
0x3d: {  	_ =	shalt  }
0x3e: {  	_ =	shalt  }
0x3f: {  	_ =	shalt  }
0x40: {  	_ =	shalt  }
0x41: {  	_ =	shalt  }
0x42: {  	_ =	shalt  }
0x43: {  	_ =	shalt  }
0x44: {  	_ =	shalt  }
0x45: {  	_ =	shalt  }
0x46: {  	_ =	shalt  }
0x47: {  	_ =	shalt  }
0x48: {  	_ =	shalt  }
0x49: {  	_ =	shalt  }
0x4a: {  	_ =	shalt  }
0x4b: {  	_ =	shalt  }
0x4c: {  	_ =	shalt  }
0x4d: {  	_ =	shalt  }
0x4e: {  	_ =	shalt  }
0x4f: {  	_ =	shalt  }
0x50: {  	_ =	shalt  }
0x51: {  	_ =	shalt  }
0x52: {  	_ =	shalt  }
0x53: {  	_ =	shalt  }
0x54: {  	_ =	shalt  }
0x55: {  	_ =	shalt  }
0x56: {  	_ =	shalt  }
0x57: {  	_ =	shalt  }
0x58: {  	_ =	shalt  }
0x59: {  	_ =	shalt  }
0x5a: {  	_ =	shalt  }
0x5b: {  	_ =	shalt  }
0x5c: {  	_ =	shalt  }
0x5d: {  	_ =	shalt  }
0x5e: {  	_ =	shalt  }
0x5f: {  	_ =	shalt  }
0x60: {  	_ =	shalt  }
0x61: {  	_ =	shalt  }
0x62: {  	_ =	shalt  }
0x63: {  	_ =	shalt  }
0x64: {  	_ =	shalt  }
0x65: {  	_ =	shalt  }
0x66: {  	_ =	shalt  }
0x67: {  	_ =	shalt  }
0x68: {  	_ =	shalt  }
0x69: {  	_ =	shalt  }
0x6a: {  	_ =	shalt  }
0x6b: {  	_ =	shalt  }
0x6c: {  	_ =	shalt  }
0x6d: {  	_ =	shalt  }
0x6e: {  	_ =	shalt  }
0x6f: {  	_ =	shalt  }
0x70: {  	_ =	shalt  }
0x71: {  	_ =	shalt  }
0x72: {  	_ =	shalt  }
0x73: {  	_ =	shalt  }
0x74: {  	_ =	shalt  }
0x75: {  	_ =	shalt  }
0x76: {  	_ =	shalt  }
0x77: {  	_ =	shalt  }
0x78: {  	_ =	shalt  }
0x79: {  	_ =	shalt  }
0x7a: {  	_ =	shalt  }
0x7b: {  	_ =	shalt  }
0x7c: {  	_ =	shalt  }
0x7d: {  	_ =	shalt  }
0x7e: {  	_ =	shalt  }
0x7f: {  	_ =	shalt  }
0x80: {  	_ =	shalt  }
0x81: {  	_ =	shalt  }
0x82: {  	_ =	shalt  }
0x83: {  	_ =	shalt  }
0x84: {  	_ =	shalt  }
0x85: {  	_ =	shalt  }
0x86: {  	_ =	shalt  }
0x87: {  	_ =	shalt  }
.Lfunc_end0:
.L_simem_size_0:
called_computation_lowered:
.L_overlay_start_0:
0x88: {  	s2 =	sld [smem:$0x3FD9]  }
0x89: {  	s3 =	sld [smem:$0x3FFE];
	_ =	sdelay $0x1  }
0x8a: {  	s1 =	srdreg.scid  }
0x8b: {  	s0 =	sand.u32 $0x1, s1  }
0x8c: {  	s17 =	sshll.u32 s0, $0xA;
	s2 =	sadd.s32 s3, s2  }
0x8d: {  	s2 =	sadd.s32 s2, s17  }
0x8e: {  	[smem:$0x3FAC] =	sst s2  }
0x8f: {  	_ = 	snop  }
0x90: {  	s2 =	sld [smem:$0x3FD0];
	(tm) =	ssettm $0x1  }
0x91: {  	s18 =	sld [smem:$0x3FFB];
	_ =	sdelay $0x3  }
0x92: {  	_ =	strace s18  }
0x93: {  	s3 =	sld [smem:$0x3FFC];
	_ =	sdelay $0x3  }
0x94: {  	_ =	strace s3  }
0x95: {  	s3 =	sld [smem:$0x3FFD];
	_ =	sdelay $0x3  }
0x96: {  	_ =	strace s3  }
0x97: {  	_ =	strace $0x8FFFFFFF  }
0x98: {  	s19 =	sld [smem:$0x3FDB];
	_ =	sdelay $0x1  }
0x99: {  	s4 =	simm.s32 $_scs_section_size  }
0x9a: {  	s5 =	simm.s32 $_size__tile_overlayer_lowered;
	s6 =	simm.s32 $_tile_overlayer_lowered  }
0x9b: {  	s22 =	simm.s32 $0x1BFF;
	s21 =	sshll.u32 s6, $0x1;
	s3 =	sadd.s32 s4, s19  }
0x9c: {  	s7 =	simm.s32 $0x0;
	s20 =	sshll.u32 s5, $0x1;
	s5 =	sadd.s32 s21, s3  }
0x9d: {  	[timem:s7], [sflag:s22] =	dma.local [hbm:s5], s20  }
0x9e: {  	_ =	swait.ge [sflag:s22], s20  }
0x9f: {  	s4 =	ssub.s32 $0x0, s20;
	[sflag:s22] =	ssyncset.done $0x0  }
0xa0: {  	[sflag:s22] =	ssyncadd.s32 s4;
	_ =	sdelay $0x1  }
0xa1: {  	s23 =	simm.s32 $0x1B8B  }
0xa2: {  	_ =	swait.ge [sflag:s23], $0x1  }
0xa3: {  	[sflag:s23] =	ssyncset.done $0x0  }
0xa4: {  	s25 =	simm.s32 $0x1B8E;
	s24 =	sld [smem:$0x3FFE];
	[sflag:s23] =	ssyncadd.s32 $0xFFFFFFFF  }
0xa5: {  	s26 =	simm.s32 $execute0_lowered;
	[smem:$0x3FD2] =	sst s25  }
0xa6: {  	s5 =	sshll.u32 s26, $0x1;
	_ =	strace $0x80000046;
	[dreg:$0x1] =	wrdreg $0xFFFFFFFF  }
0xa7: {  	s28 =	simm.s32 $_size_execute0_lowered;
	s3 =	sadd.s32 s3, s5;
	[dreg:$0x0] =	wrdreg $0x0  }
0xa8: {  	s5 =	sshll.u32 s28, $0x1;
	[dreg:$0x2] =	wrdreg s3  }
0xa9: {  	[dreg:$0x3] =	wrdreg s5  }
0xaa: {  	[dreg:$0x4] =	wrdreg $0xC0  }
0xab: {  	_ =	task [dreg:s7], $0x5FFFF  }
0xac: {  	[dreg:$0x1] =	wrdreg $0xFFFFFFFF  }
0xad: {  	[dreg:$0x0] =	wrdreg $0x60  }
0xae: {  	[dreg:$0x2] =	wrdreg s2  }
0xaf: {  	[dreg:$0x3] =	wrdreg s24  }
0xb0: {  	[dreg:$0x4] =	wrdreg $0x9  }
0xb1: {  	_ =	task.clear_ibuf [dreg:s7], $0x5FFFF;
	_ =	strace $0x90000046  }
0xb2: {  	s29 =	simm.s32 $0x9;
	_ =	strace $0x80000048  }
0xb3: {  	_ =	swait.ge [sflag:s29], $0x1  }
0xb4: {  	[sflag:s29] =	ssyncadd.s32 $0xFFFFFFFF  }
0xb5: {  	_ =	strace $0x90000048  }
0xb6: {  	_ =	sfence  }
0xb7: {  	s30 =	sld [smem:$0x0];
	_ =	sdelay $0x2  }
0xb8: {  	s31 =	sshll.u32 s1, $0xD;
	s1 =	sshrl.u32 s1, $0x2  }
0xb9: {  	s3 =	sand.u32 $0x4000, s31;
	s1 =	sadd.s32 s1, s30  }
0xba: {  	s0 =	sor.u32 s3, s0;
	s1 =	sshll.u32 s1, $0x11  }
0xbb: {  	s0 =	sor.u32 s1, s0  }
0xbc: {  	s0 =	sadd.s32 $0x8F2B, s0  }
0xbd: {  	[sflag:s0] =	ssyncadd.remote.s32 $0x1  }
0xbe: {  	_ =	sfence.sel $0xFFFF  }
0xbf: {  	[dreg:$0x0] =	wrdreg $0xFFFFFFFF;
	(pc) =	sbr.abs _section_cstart, $3  }
0xc0: {  	[dreg:$0x1] =	wrdreg $0xFFFFFFFF  }
0xc1: {  	_ =	task.clear_ibuf [dreg:s7], $0x2FFFF;
	_ =	strace $0x9FFFFFFF  }
0xc2: {  	(tm) =	ssettm $0x7FFFFFFF  }
0xc3: {  	_ =	shalt  }
tec
execute0_lowered:
.L_overlay_start_1:
0x0: {  	(tag) =	ssettag $0x1  }
0x1: {  	s1 =	srdreg.scid  }
0x2: {  	s0 =	stileid.u32;
	s21 =	sand.u32 $0x1, s1  }
0x3: {  	s2 =	rddreg [dreg:$0x0];
	s31 =	sshll.u32 s0, $0xD;
	s3 =	sshll.u32 s21, $0xC  }
0x4: {  	s9 =	rddreg [dreg:$0x1];
	s10 =	sor.u32 s3, s31  }
0x5: {  	s1 =	rddreg [dreg:$0x2];
	s3 =	simm.s32 $0x0;
	s4 =	sshrl.u32 s10, $0x3  }
0x6: {  	[smem:$0x7FF] =	sst s3;
	s4 =	sadd.s32 s4, s9  }
0x7: {  	_ =	strace $0x80000047;
	s5 =	sadd.s32 $0x4E00, s4;
	s4 =	simm.s32 $0x2  }
0x8: {  	[tilespmem:s3], [sflag:$0x2] =	stream.linear.gather [hbm4b:s5+s3], $0x1000, $0x38;
	[tilespmem:$0x11000] =	vst v63  }
0x9: {  	_ =	swait.ge [sflag:s4], $0x1000  }
0xa: {  	s6 =	simm.s32 $0x200;
	[sflag:s4] =	ssyncset.done $0x0  }
0xb: {  	s7 =	simm.s32 $0x1000;
	s8 =	simm.s32 $0x1;
	[sflag:s4] =	ssyncadd.s32 $0xFFFFF000  }
0xc: {  	[tilespmem:s7], [sflag:$0x1] =	stream.indirect.gather [hbm4b:s2+s6], $0x80, s3, s6, $0xb8;
	[tilespmem:$0x11000] =	vst v63  }
0xd: {  	s10 =	sshll.u32 s10, $0x4;
	_ =	swait.ge [sflag:s8], $0x10000  }
0xe: {  	s22 =	sadd.s32 s10, s9;
	[sflag:s8] =	ssyncset.done $0x0  }
0xf: {  	s9 =	sadd.s32 $0x8E00, s22;
	[sflag:s8] =	ssyncadd.s32 $0xFFFF0000  }
0x10: {  	[hbm4b:s9+s3] =	stream.linear.scatter [tilespmem:s7], [sflag:$0x2], $0x10000, $0x38;
	[tilespmem:$0x11000] =	vst v63  }
0x11: {  	_ =	swait.ge [sflag:s4], $0x10000  }
0x12: {  	[sflag:s4] =	ssyncset.done $0x0  }
0x13: {  	[sflag:s4] =	ssyncadd.s32 $0xFFFF0000  }
0x14: {  	[tilespmem:s7], [sflag:$0x1] =	stream.indirect.gather [hbm4b:s2+s6], $0x80, s6, s6, $0xb8;
	[tilespmem:$0x11000] =	vst v63  }
0x15: {  	_ =	swait.ge [sflag:s8], $0x10000  }
0x16: {  	[sflag:s8] =	ssyncset.done $0x0  }
0x17: {  	s10 =	sadd.s32 $0xAE00, s22;
	[sflag:s8] =	ssyncadd.s32 $0xFFFF0000  }
0x18: {  	[hbm4b:s10+s3] =	stream.linear.scatter [tilespmem:s7], [sflag:$0x2], $0x10000, $0x38;
	[tilespmem:$0x11000] =	vst v63  }
0x19: {  	_ =	swait.ge [sflag:s4], $0x10000  }
0x1a: {  	[sflag:s4] =	ssyncset.done $0x0  }
0x1b: {  	s11 =	simm.s32 $0x400;
	[sflag:s4] =	ssyncadd.s32 $0xFFFF0000  }
0x1c: {  	[tilespmem:s7], [sflag:$0x1] =	stream.indirect.gather [hbm4b:s2+s6], $0x80, s11, s6, $0xb8;
	[tilespmem:$0x11000] =	vst v63  }
0x1d: {  	_ =	swait.ge [sflag:s8], $0x10000  }
0x1e: {  	[sflag:s8] =	ssyncset.done $0x0  }
0x1f: {  	s12 =	sadd.s32 $0xCE00, s22;
	[sflag:s8] =	ssyncadd.s32 $0xFFFF0000  }
0x20: {  	[hbm4b:s12+s3] =	stream.linear.scatter [tilespmem:s7], [sflag:$0x2], $0x10000, $0x38;
	[tilespmem:$0x11000] =	vst v63  }
0x21: {  	_ =	swait.ge [sflag:s4], $0x10000  }
0x22: {  	[sflag:s4] =	ssyncset.done $0x0  }
0x23: {  	s13 =	simm.s32 $0x600;
	[sflag:s4] =	ssyncadd.s32 $0xFFFF0000  }
0x24: {  	[tilespmem:s7], [sflag:$0x1] =	stream.indirect.gather [hbm4b:s2+s6], $0x80, s13, s6, $0xb8;
	[tilespmem:$0x11000] =	vst v63  }
0x25: {  	_ =	swait.ge [sflag:s8], $0x10000  }
0x26: {  	[sflag:s8] =	ssyncset.done $0x0  }
0x27: {  	s14 =	sadd.s32 $0xEE00, s22;
	[sflag:s8] =	ssyncadd.s32 $0xFFFF0000  }
0x28: {  	[hbm4b:s14+s3] =	stream.linear.scatter [tilespmem:s7], [sflag:$0x2], $0x10000, $0x38;
	[tilespmem:$0x11000] =	vst v63  }
0x29: {  	_ =	swait.ge [sflag:s4], $0x10000  }
0x2a: {  	[sflag:s4] =	ssyncset.done $0x0  }
0x2b: {  	s15 =	simm.s32 $0x800;
	[sflag:s4] =	ssyncadd.s32 $0xFFFF0000  }
0x2c: {  	[tilespmem:s7], [sflag:$0x1] =	stream.indirect.gather [hbm4b:s2+s6], $0x80, s15, s6, $0xb8;
	[tilespmem:$0x11000] =	vst v63  }
0x2d: {  	_ =	swait.ge [sflag:s8], $0x10000  }
0x2e: {  	[sflag:s8] =	ssyncset.done $0x0  }
0x2f: {  	s16 =	sadd.s32 $0x10E00, s22;
	[sflag:s8] =	ssyncadd.s32 $0xFFFF0000  }
0x30: {  	[hbm4b:s16+s3] =	stream.linear.scatter [tilespmem:s7], [sflag:$0x2], $0x10000, $0x38;
	[tilespmem:$0x11000] =	vst v63  }
0x31: {  	_ =	swait.ge [sflag:s4], $0x10000  }
0x32: {  	[sflag:s4] =	ssyncset.done $0x0  }
0x33: {  	s17 =	simm.s32 $0xA00;
	[sflag:s4] =	ssyncadd.s32 $0xFFFF0000  }
0x34: {  	[tilespmem:s7], [sflag:$0x1] =	stream.indirect.gather [hbm4b:s2+s6], $0x80, s17, s6, $0xb8;
	[tilespmem:$0x11000] =	vst v63  }
0x35: {  	_ =	swait.ge [sflag:s8], $0x10000  }
0x36: {  	[sflag:s8] =	ssyncset.done $0x0  }
0x37: {  	s18 =	sadd.s32 $0x12E00, s22;
	[sflag:s8] =	ssyncadd.s32 $0xFFFF0000  }
0x38: {  	[hbm4b:s18+s3] =	stream.linear.scatter [tilespmem:s7], [sflag:$0x2], $0x10000, $0x38;
	[tilespmem:$0x11000] =	vst v63  }
0x39: {  	_ =	swait.ge [sflag:s4], $0x10000  }
0x3a: {  	[sflag:s4] =	ssyncset.done $0x0  }
0x3b: {  	s19 =	simm.s32 $0xC00;
	[sflag:s4] =	ssyncadd.s32 $0xFFFF0000  }
0x3c: {  	[tilespmem:s7], [sflag:$0x1] =	stream.indirect.gather [hbm4b:s2+s6], $0x80, s19, s6, $0xb8;
	[tilespmem:$0x11000] =	vst v63  }
0x3d: {  	_ =	swait.ge [sflag:s8], $0x10000  }
0x3e: {  	[sflag:s8] =	ssyncset.done $0x0  }
0x3f: {  	s23 =	ssub.s32 $0x2, s21;
	s20 =	sadd.s32 $0x14E00, s22;
	[sflag:s8] =	ssyncadd.s32 $0xFFFF0000  }
0x40: {  	[hbm4b:s20+s3] =	stream.linear.scatter [tilespmem:s7], [sflag:$0x2], $0x10000, $0x38;
	[tilespmem:$0x11000] =	vst v63  }
0x41: {  	s24 =	sshrl.u32 s23, $0x1;
	_ =	swait.ge [sflag:s4], $0x10000  }
0x42: {  	s23 =	ssub.s32 s23, s24;
	[sflag:s4] =	ssyncset.done $0x0  }
0x43: {  	s21 =	simm.s32 $0xE00;
	s23 =	smax.u32 s23, $0x1;
	[sflag:s4] =	ssyncadd.s32 $0xFFFF0000  }
0x44: {  	[tilespmem:s7], [sflag:$0x1] =	stream.indirect.gather [hbm4b:s2+s6], $0x80, s21, s6, $0xb8;
	[tilespmem:$0x11000] =	vst v63  }
0x45: {  	p0 =	sne.s32 s23, $0x1;
	_ =	swait.ge [sflag:s8], $0x10000  }
.Ltmp0:
0x46: {  	[sflag:s8] =	ssyncset.done $0x0;
	(pc) =	sbr.rel @!p0 .LBB2_2-.Ltmp0, $4  }
0x47: {  	s22 =	sadd.s32 $0x16E00, s22;
	[sflag:s8] =	ssyncadd.s32 $0xFFFF0000  }
0x48: {  	[hbm4b:s22+s3] =	stream.linear.scatter [tilespmem:s7], [sflag:$0x2], $0x10000, $0x38;
	[tilespmem:$0x11000] =	vst v63  }
0x49: {  	_ =	swait.ge [sflag:s4], $0x10000  }
0x4a: {  	s23 =	sadd.s32 $0xFFFFFFFF, s23;
	[sflag:s4] =	ssyncset.done $0x0  }
.LBB2_1:
0x4b: {  	p0 =	sne.s32 s23, $0x1;
	s23 =	sadd.s32 $0xFFFFFFFF, s23;
	[sflag:s4] =	ssyncadd.s32 $0xFFFF0000  }
0x4c: {  	[tilespmem:s3], [sflag:$0x2] =	stream.linear.gather [hbm4b:s5+s3], $0x1000, $0x38;
	[tilespmem:$0x11000] =	vst v63  }
0x4d: {  	_ =	swait.ge [sflag:s4], $0x1000  }
0x4e: {  	[sflag:s4] =	ssyncset.done $0x0  }
0x4f: {  	[sflag:s4] =	ssyncadd.s32 $0xFFFFF000  }
0x50: {  	[tilespmem:s7], [sflag:$0x1] =	stream.indirect.gather [hbm4b:s2+s6], $0x80, s3, s6, $0xb8;
	[tilespmem:$0x11000] =	vst v63  }
0x51: {  	_ =	swait.ge [sflag:s8], $0x10000  }
0x52: {  	[sflag:s8] =	ssyncset.done $0x0  }
0x53: {  	[sflag:s8] =	ssyncadd.s32 $0xFFFF0000  }
0x54: {  	[hbm4b:s9+s3] =	stream.linear.scatter [tilespmem:s7], [sflag:$0x2], $0x10000, $0x38;
	[tilespmem:$0x11000] =	vst v63  }
0x55: {  	_ =	swait.ge [sflag:s4], $0x10000  }
0x56: {  	[sflag:s4] =	ssyncset.done $0x0  }
0x57: {  	[sflag:s4] =	ssyncadd.s32 $0xFFFF0000  }
0x58: {  	[tilespmem:s7], [sflag:$0x1] =	stream.indirect.gather [hbm4b:s2+s6], $0x80, s6, s6, $0xb8;
	[tilespmem:$0x11000] =	vst v63  }
0x59: {  	_ =	swait.ge [sflag:s8], $0x10000  }
0x5a: {  	[sflag:s8] =	ssyncset.done $0x0  }
0x5b: {  	[sflag:s8] =	ssyncadd.s32 $0xFFFF0000  }
0x5c: {  	[hbm4b:s10+s3] =	stream.linear.scatter [tilespmem:s7], [sflag:$0x2], $0x10000, $0x38;
	[tilespmem:$0x11000] =	vst v63  }
0x5d: {  	_ =	swait.ge [sflag:s4], $0x10000  }
0x5e: {  	[sflag:s4] =	ssyncset.done $0x0  }
0x5f: {  	[sflag:s4] =	ssyncadd.s32 $0xFFFF0000  }
0x60: {  	[tilespmem:s7], [sflag:$0x1] =	stream.indirect.gather [hbm4b:s2+s6], $0x80, s11, s6, $0xb8;
	[tilespmem:$0x11000] =	vst v63  }
0x61: {  	_ =	swait.ge [sflag:s8], $0x10000  }
0x62: {  	[sflag:s8] =	ssyncset.done $0x0  }
0x63: {  	[sflag:s8] =	ssyncadd.s32 $0xFFFF0000  }
0x64: {  	[hbm4b:s12+s3] =	stream.linear.scatter [tilespmem:s7], [sflag:$0x2], $0x10000, $0x38;
	[tilespmem:$0x11000] =	vst v63  }
0x65: {  	_ =	swait.ge [sflag:s4], $0x10000  }
0x66: {  	[sflag:s4] =	ssyncset.done $0x0  }
0x67: {  	[sflag:s4] =	ssyncadd.s32 $0xFFFF0000  }
0x68: {  	[tilespmem:s7], [sflag:$0x1] =	stream.indirect.gather [hbm4b:s2+s6], $0x80, s13, s6, $0xb8;
	[tilespmem:$0x11000] =	vst v63  }
0x69: {  	_ =	swait.ge [sflag:s8], $0x10000  }
0x6a: {  	[sflag:s8] =	ssyncset.done $0x0  }
0x6b: {  	[sflag:s8] =	ssyncadd.s32 $0xFFFF0000  }
0x6c: {  	[hbm4b:s14+s3] =	stream.linear.scatter [tilespmem:s7], [sflag:$0x2], $0x10000, $0x38;
	[tilespmem:$0x11000] =	vst v63  }
0x6d: {  	_ =	swait.ge [sflag:s4], $0x10000  }
0x6e: {  	[sflag:s4] =	ssyncset.done $0x0  }
0x6f: {  	[sflag:s4] =	ssyncadd.s32 $0xFFFF0000  }
0x70: {  	[tilespmem:s7], [sflag:$0x1] =	stream.indirect.gather [hbm4b:s2+s6], $0x80, s15, s6, $0xb8;
	[tilespmem:$0x11000] =	vst v63  }
0x71: {  	_ =	swait.ge [sflag:s8], $0x10000  }
0x72: {  	[sflag:s8] =	ssyncset.done $0x0  }
0x73: {  	[sflag:s8] =	ssyncadd.s32 $0xFFFF0000  }
0x74: {  	[hbm4b:s16+s3] =	stream.linear.scatter [tilespmem:s7], [sflag:$0x2], $0x10000, $0x38;
	[tilespmem:$0x11000] =	vst v63  }
0x75: {  	_ =	swait.ge [sflag:s4], $0x10000  }
0x76: {  	[sflag:s4] =	ssyncset.done $0x0  }
0x77: {  	[sflag:s4] =	ssyncadd.s32 $0xFFFF0000  }
0x78: {  	[tilespmem:s7], [sflag:$0x1] =	stream.indirect.gather [hbm4b:s2+s6], $0x80, s17, s6, $0xb8;
	[tilespmem:$0x11000] =	vst v63  }
0x79: {  	_ =	swait.ge [sflag:s8], $0x10000  }
0x7a: {  	[sflag:s8] =	ssyncset.done $0x0  }
0x7b: {  	[sflag:s8] =	ssyncadd.s32 $0xFFFF0000  }
0x7c: {  	[hbm4b:s18+s3] =	stream.linear.scatter [tilespmem:s7], [sflag:$0x2], $0x10000, $0x38;
	[tilespmem:$0x11000] =	vst v63  }
0x7d: {  	_ =	swait.ge [sflag:s4], $0x10000  }
0x7e: {  	[sflag:s4] =	ssyncset.done $0x0  }
0x7f: {  	[sflag:s4] =	ssyncadd.s32 $0xFFFF0000  }
0x80: {  	[tilespmem:s7], [sflag:$0x1] =	stream.indirect.gather [hbm4b:s2+s6], $0x80, s19, s6, $0xb8;
	[tilespmem:$0x11000] =	vst v63  }
0x81: {  	_ =	swait.ge [sflag:s8], $0x10000  }
0x82: {  	[sflag:s8] =	ssyncset.done $0x0  }
0x83: {  	[sflag:s8] =	ssyncadd.s32 $0xFFFF0000  }
0x84: {  	[hbm4b:s20+s3] =	stream.linear.scatter [tilespmem:s7], [sflag:$0x2], $0x10000, $0x38;
	[tilespmem:$0x11000] =	vst v63  }
0x85: {  	_ =	swait.ge [sflag:s4], $0x10000  }
0x86: {  	[sflag:s4] =	ssyncset.done $0x0  }
0x87: {  	[sflag:s4] =	ssyncadd.s32 $0xFFFF0000  }
0x88: {  	[tilespmem:s7], [sflag:$0x1] =	stream.indirect.gather [hbm4b:s2+s6], $0x80, s21, s6, $0xb8;
	[tilespmem:$0x11000] =	vst v63  }
0x89: {  	_ =	swait.ge [sflag:s8], $0x10000  }
.Ltmp1:
0x8a: {  	[sflag:s8] =	ssyncset.done $0x0;
	(pc) =	sbr.rel @p0 .LBB2_1-.Ltmp1, $4  }
0x8b: {  	[sflag:s8] =	ssyncadd.s32 $0xFFFF0000  }
0x8c: {  	[hbm4b:s22+s3] =	stream.linear.scatter [tilespmem:s7], [sflag:$0x2], $0x10000, $0x38;
	[tilespmem:$0x11000] =	vst v63  }
0x8d: {  	_ =	swait.ge [sflag:s4], $0x10000  }
0x8e: {  	[sflag:s4] =	ssyncset.done $0x0  }
.LBB2_2:
0x8f: {  	[sflag:s4] =	ssyncadd.s32 $0xFFFF0000  }
0x90: {  	_ =	sfence.sel $0x180000  }
0x91: {  	[bflag:$0x0] =	sbarrier.arrive $0xFFFF  }
0x92: {  	p0 =	sne.s32 s0, $0x0;
	_ =	strace $0x90000047  }
0x93: {  	s0 =	sadd.s32 @!p0 $0x100000, s1;
	[bflag:$0x2] =	sbarrier.arrive $0xFFFF  }
0x94: {  	[sflag:s0] =	ssyncadd.tile.s32 @!p0 $0x1;
	_ =	shalt  }
.Lfunc_end2:
_tile_overlayer_lowered:
.L_overlay_start_2:
0x95: {  	(tag) =	ssettag $0x2  }
0x96: {  	s0 =	rddreg [dreg:$0x0];
	s2 =	stileid.u32  }
0x97: {  	s1 =	rddreg [dreg:$0x1];
	p0 =	sne.s32 s2, $0x0  }
0x98: {  	s3 =	rddreg [dreg:$0x2];
	[bflag:$0x3] =	sbarrier.arrive $0xFFFF;
	s2 =	simm.s32 @!p0 $0x1C02  }
0x99: {  	[timem:s3], [sflag:s2] =	dma.local @!p0 [hbm:s0], s1  }
0x9a: {  	s0 =	simm.s32 @!p0 $0x2  }
0x9b: {  	_ =	swait.ge @!p0 [sflag:s0], s1  }
0x9c: {  	s1 =	ssub.s32 @!p0 $0x0, s1;
	[sflag:s0] =	ssyncset.done @!p0 $0x0  }
0x9d: {  	[sflag:s0] =	ssyncadd.s32 @!p0 s1  }
0x9e: {  	[bflag:$0x3] =	sbarrier.arrive $0xFFFF  }
0x9f: {  	_ =	shalt  }

</sc_bundles>
